<compile_context>
chip_gen: v7x
topology: tpu7x:2x2x1
jax: 0.10.2.dev20260603
libtpu: 0.0.44.dev20260713+nightly
codegen_flags: <defaults>
</compile_context>

<pallas_src>
import functools

import jax
import jax.numpy as jnp
from jax import lax
from jax.experimental import pallas as pl
from jax.experimental.pallas import tpu as pltpu
from jax.experimental.pallas import tpu_sc as plsc

_NC = 2
_NS = 16
_NW = _NC * _NS
_LANES = 16

_TB = 256
_TV = 16384


def _pool_sc_body(ctx, rows_per_worker, chunks,
                  table_hbm, idx_hbm, out_hbm, idx_v, rows_v, acc_v, sem):
  wid = lax.axis_index("s") * _NC + lax.axis_index("c")
  d = table_hbm.shape[1]

  pltpu.sync_copy(idx_hbm.at[wid], idx_v)

  copies = []
  for j in range(chunks):
    copies.append(
        pltpu.async_copy(table_hbm.at[idx_v.at[j]],
                         rows_v.at[pl.ds(j * 128, 128)], sem))
  for c in copies:
    c.wait()

  inv = 1.0 / float(ctx)

  def body(b, carry):
    base = b * ctx
    for c in range(d // _LANES):
      sl = pl.ds(c * _LANES, _LANES)
      acc = rows_v[base, sl]
      for t in range(1, ctx):
        acc = acc + rows_v[base + t, sl]
      acc_v[b, sl] = acc * inv
    return carry

  lax.fori_loop(0, rows_per_worker, body, 0)

  pltpu.sync_copy(acc_v, out_hbm.at[pl.ds(wid * rows_per_worker,
                                          rows_per_worker)])


def _embed_mean_pool(embed_table, inputs):
  b, ctx = inputs.shape
  v, d = embed_table.shape
  n_idx = b * ctx
  chunks = n_idx // (_NW * 128)
  rows_per_worker = b // _NW
  idx3d = inputs.reshape(_NW, chunks, 128)

  mesh = plsc.VectorSubcoreMesh(core_axis_name="c", subcore_axis_name="s",
                                num_cores=_NC, num_subcores=_NS)
  body = functools.partial(_pool_sc_body, ctx, rows_per_worker, chunks)
  return pl.kernel(
      body,
      out_type=jax.ShapeDtypeStruct((b, d), jnp.float32),
      mesh=mesh,
      scratch_types=[
          pltpu.VMEM((chunks, 128), jnp.int32),
          pltpu.VMEM((chunks * 128, d), jnp.float32),
          pltpu.VMEM((rows_per_worker, d), jnp.float32),
          pltpu.SemaphoreType.DMA,
      ],
      compiler_params=pltpu.CompilerParams(use_tc_tiling_on_sc=False),
  )(embed_table, idx3d)


def _p1_body(v, n_vt, x_ref, w_ref, b_ref, s_ref, sacc):
  vt = pl.program_id(0)
  bt = pl.program_id(1)

  @pl.when(vt == 0)
  def _():
    sacc[bt] = jnp.zeros_like(sacc[bt])

  xb = x_ref[pl.ds(pl.multiple_of(bt * _TB, _TB), _TB), :]
  logits = jnp.dot(xb.astype(jnp.bfloat16),
                   w_ref[...].astype(jnp.bfloat16),
                   preferred_element_type=jnp.float32) + b_ref[...]
  col = vt * _TV + lax.broadcasted_iota(jnp.int32, logits.shape, 1)
  e = jnp.where(col < v, jnp.exp(logits), 0.0)
  ones = jnp.ones((e.shape[1], 1), jnp.bfloat16)
  sacc[bt] = sacc[bt] + jnp.dot(e.astype(jnp.bfloat16), ones,
                                preferred_element_type=jnp.float32)

  @pl.when(vt == n_vt - 1)
  def _():
    s_ref[...] = sacc[bt]


def _p2_body(x_ref, w_ref, b_ref, s_ref, o_ref):
  bt = pl.program_id(1)
  xb = x_ref[pl.ds(pl.multiple_of(bt * _TB, _TB), _TB), :]
  sb = s_ref[pl.ds(pl.multiple_of(bt * _TB, _TB), _TB), :]
  logits = jnp.dot(xb, w_ref[...],
                   preferred_element_type=jnp.float32) + b_ref[...]
  o_ref[...] = jnp.exp(logits) * (1.0 / sb)


def _dense_softmax(x, dense_w, dense_b):
  b, d = x.shape
  v = dense_w.shape[1]
  n_bt = b // _TB
  n_vt = pl.cdiv(v, _TV)
  bias2d = dense_b.reshape(1, v)

  x_spec = pl.BlockSpec((b, d), lambda j, i: (0, 0))
  w_spec = pl.BlockSpec((d, _TV), lambda j, i: (0, j))
  b_spec = pl.BlockSpec((1, _TV), lambda j, i: (0, j))
  ms_spec = pl.BlockSpec((_TB, 1), lambda j, i: (i, 0))
  s_full_spec = pl.BlockSpec((b, 1), lambda j, i: (0, 0))

  s = pl.pallas_call(
      functools.partial(_p1_body, v, n_vt),
      grid=(n_vt, n_bt),
      in_specs=[x_spec, w_spec, b_spec],
      out_specs=ms_spec,
      out_shape=jax.ShapeDtypeStruct((b, 1), jnp.float32),
      scratch_shapes=[pltpu.VMEM((n_bt, _TB, 1), jnp.float32)],
      compiler_params=pltpu.CompilerParams(
          dimension_semantics=("arbitrary", "arbitrary"),
          vmem_limit_bytes=110 * 1024 * 1024),
  )(x, dense_w, bias2d)

  out = pl.pallas_call(
      _p2_body,
      grid=(n_vt, n_bt),
      in_specs=[x_spec, w_spec, b_spec, s_full_spec],
      out_specs=pl.BlockSpec((_TB, _TV), lambda j, i: (i, j)),
      out_shape=jax.ShapeDtypeStruct((b, v), jnp.float32),
      compiler_params=pltpu.CompilerParams(
          dimension_semantics=("arbitrary", "arbitrary"),
          vmem_limit_bytes=110 * 1024 * 1024),
  )(x, dense_w, bias2d, s)
  return out


@jax.jit
def kernel(inputs, embed_table, dense_W, dense_b):
  pooled = _embed_mean_pool(embed_table, inputs.astype(jnp.int32))
  return _dense_softmax(pooled, dense_W, dense_b)

# --- scband reference (transcript-rebuilt; emitter-appended) ---
"""Pipeline reference for scband-cbowmodel-55705725829156 (READ-ONLY COPY).

The authoritative reference and input builder live on the scoring server;
editing this copy changes nothing except your own understanding.
"""

import jax, jax.numpy as jnp
import numpy as np

VOCAB = 100000
EMBED_DIM = 64
BATCH = 1024
CTX = 20

def setup_inputs(seed: int = 0) -> dict:
    key = jax.random.key(seed)
    k1, k2, k3, k4 = jax.random.split(key, 4)
    inputs = jax.random.randint(k1, (BATCH, CTX), 0, VOCAB, dtype=jnp.int64 if jax.config.jax_enable_x64 else jnp.int32)
    embed_table = jax.random.normal(k2, (VOCAB, EMBED_DIM), dtype=jnp.float32) * 0.05
    dense_W = jax.random.normal(k3, (EMBED_DIM, VOCAB), dtype=jnp.float32) * (1.0 / np.sqrt(EMBED_DIM))
    dense_b = jnp.zeros((VOCAB,), dtype=jnp.float32)
    return {"inputs": inputs, "embed_table": embed_table, "dense_W": dense_W, "dense_b": dense_b}

def reference(inputs, embed_table, dense_W, dense_b):
    # Embedding lookup: [B, CTX] -> [B, CTX, D]
    x = jnp.take(embed_table, inputs, axis=0)
    # Mean over context window: [B, D]
    x = jnp.mean(x, axis=1)
    # Dense + softmax: [B, VOCAB]
    logits = x @ dense_W + dense_b
    return jax.nn.softmax(logits, axis=-1)

if __name__ == "__main__":
    import jax
    _d = setup_inputs()
    print(jax.jit(kernel)(*tuple(_d.values())))

</pallas_src>

<mosaic_0001>
#map = affine_map<(d0, d1) -> (0, 0)>
#map1 = affine_map<(d0, d1) -> (0, 0, 0)>
module attributes {stable_mosaic.version = 14 : i64} {
  func.func @_pool_sc_body(%arg0: i32, %arg1: i32, %arg2: memref<100000x64xf32, #tpu.memory_space<hbm>>, %arg3: memref<32x5x128xi32, #tpu.memory_space<hbm>>, %arg4: memref<1024x64xf32, #tpu.memory_space<hbm>>, %arg5: memref<5x128xi32, #tpu.memory_space<vmem>>, %arg6: memref<640x64xf32, #tpu.memory_space<vmem>>, %arg7: memref<32x64xf32, #tpu.memory_space<vmem>>, %arg8: memref<!tpu.dma_semaphore, #tpu.memory_space<semaphore_mem>>) attributes {dimension_semantics = [#tpu.dimension_semantics<core_parallel>, #tpu.dimension_semantics<subcore_parallel>], iteration_bounds = array<i64: 2, 16>, scalar_prefetch = 0 : i64, scratch_operands = 4 : i64, tpu.core_type = #tpu.core_type<sc_vector_subcore>, window_params = [{transform_indices = #map}, {transform_indices = #map1}, {transform_indices = #map}]} {
    %mul3A = arith.constant 2 : i32
    %mul3A_0 = arith.muli %arg1, %mul3A : i32
    %add3A = arith.addi %mul3A_0, %arg0 : i32
    "tpu.region"() ({
      %run_scoped3A = tpu.sem_alloc : memref<!tpu.dma_semaphore, #tpu.memory_space<semaphore_mem>>
      %dma_start3A_106 = arith.constant 0 : i32
      %dma_start3A_107 = arith.constant 0 : i32
      %dma_start3A_108 = tpu.memref_slice %arg3[%add3A, %dma_start3A_106, %dma_start3A_107] : memref<32x5x128xi32, #tpu.memory_space<hbm>> -> memref<1x5x128xi32, #tpu.memory_space<hbm>>
      %dma_start3A_109 = tpu.memref_squeeze %dma_start3A_108 : memref<1x5x128xi32, #tpu.memory_space<hbm>> -> memref<5x128xi32, #tpu.memory_space<hbm>>
      %dma_start3A_110 = arith.constant 0 : i32
      %dma_start3A_111 = arith.constant 0 : i32
      %dma_start3A_112 = tpu.memref_slice %arg3[%add3A, %dma_start3A_110, %dma_start3A_111] : memref<32x5x128xi32, #tpu.memory_space<hbm>> -> memref<1x5x128xi32, #tpu.memory_space<hbm>>
      %dma_start3A_113 = tpu.memref_squeeze %dma_start3A_112 : memref<1x5x128xi32, #tpu.memory_space<hbm>> -> memref<5x128xi32, #tpu.memory_space<hbm>>
      tpu.enqueue_dma source(%dma_start3A_113 : memref<5x128xi32, #tpu.memory_space<hbm>>) target(%arg5 : memref<5x128xi32, #tpu.memory_space<vmem>>) target_semaphore(%run_scoped3A : memref<!tpu.dma_semaphore, #tpu.memory_space<semaphore_mem>>)
      %dma_wait3A_114 = arith.constant 0 : i32
      %dma_wait3A_115 = arith.constant 0 : i32
      %dma_wait3A_116 = tpu.memref_slice %arg3[%add3A, %dma_wait3A_114, %dma_wait3A_115] : memref<32x5x128xi32, #tpu.memory_space<hbm>> -> memref<1x5x128xi32, #tpu.memory_space<hbm>>
      %dma_wait3A_117 = tpu.memref_squeeze %dma_wait3A_116 : memref<1x5x128xi32, #tpu.memory_space<hbm>> -> memref<5x128xi32, #tpu.memory_space<hbm>>
      %dma_wait3A_118 = arith.constant 0 : i32
      %dma_wait3A_119 = arith.constant 0 : i32
      %dma_wait3A_120 = tpu.memref_slice %arg3[%add3A, %dma_wait3A_118, %dma_wait3A_119] : memref<32x5x128xi32, #tpu.memory_space<hbm>> -> memref<1x5x128xi32, #tpu.memory_space<hbm>>
      %dma_wait3A_121 = tpu.memref_squeeze %dma_wait3A_120 : memref<1x5x128xi32, #tpu.memory_space<hbm>> -> memref<5x128xi32, #tpu.memory_space<hbm>>
      tpu.wait_dma2 semaphore(%run_scoped3A : memref<!tpu.dma_semaphore, #tpu.memory_space<semaphore_mem>>) src(%dma_wait3A_121 : memref<5x128xi32, #tpu.memory_space<hbm>>) dst(%arg5 : memref<5x128xi32, #tpu.memory_space<vmem>>)
      tpu.yield
    }) : () -> ()
    %dma_start3A = arith.constant 0 : i32
    %dma_start3A_1 = arith.constant 0 : i32
    %dma_start3A_2 = arith.constant 0 : i32
    %dma_start3A_3 = tpu.memref_slice %arg6[%dma_start3A_1, %dma_start3A_2] : memref<640x64xf32, #tpu.memory_space<vmem>> -> memref<128x64xf32, #tpu.memory_space<vmem>>
    %dma_start3A_4 = arith.constant 0 : i32
    %dma_start3A_5 = tpu.memref_slice %arg5[%dma_start3A, %dma_start3A_4] : memref<5x128xi32, #tpu.memory_space<vmem>> -> memref<1x128xi32, #tpu.memory_space<vmem>>
    %dma_start3A_6 = tpu.memref_squeeze %dma_start3A_5 : memref<1x128xi32, #tpu.memory_space<vmem>> -> memref<128xi32, #tpu.memory_space<vmem>>
    %dma_start3A_7 = arith.constant 0 : i32
    %dma_start3A_8 = arith.constant 0 : i32
    %dma_start3A_9 = tpu.memref_slice %arg2[%dma_start3A_7, %dma_start3A_8] : memref<100000x64xf32, #tpu.memory_space<hbm>> -> memref<100000x64xf32, #tpu.memory_space<hbm>>
    tpu.enqueue_indirect_dma source(%dma_start3A_9 : memref<100000x64xf32, #tpu.memory_space<hbm>>) target(%dma_start3A_3 : memref<128x64xf32, #tpu.memory_space<vmem>>) offsets(%dma_start3A_6 : memref<128xi32, #tpu.memory_space<vmem>>) semaphore(%arg8 : memref<!tpu.dma_semaphore, #tpu.memory_space<semaphore_mem>>)
    %dma_start3A_10 = arith.constant 1 : i32
    %dma_start3A_11 = arith.constant 128 : i32
    %dma_start3A_12 = arith.constant 0 : i32
    %dma_start3A_13 = tpu.memref_slice %arg6[%dma_start3A_11, %dma_start3A_12] : memref<640x64xf32, #tpu.memory_space<vmem>> -> memref<128x64xf32, #tpu.memory_space<vmem>>
    %dma_start3A_14 = arith.constant 0 : i32
    %dma_start3A_15 = tpu.memref_slice %arg5[%dma_start3A_10, %dma_start3A_14] : memref<5x128xi32, #tpu.memory_space<vmem>> -> memref<1x128xi32, #tpu.memory_space<vmem>>
    %dma_start3A_16 = tpu.memref_squeeze %dma_start3A_15 : memref<1x128xi32, #tpu.memory_space<vmem>> -> memref<128xi32, #tpu.memory_space<vmem>>
    %dma_start3A_17 = arith.constant 0 : i32
    %dma_start3A_18 = arith.constant 0 : i32
    %dma_start3A_19 = tpu.memref_slice %arg2[%dma_start3A_17, %dma_start3A_18] : memref<100000x64xf32, #tpu.memory_space<hbm>> -> memref<100000x64xf32, #tpu.memory_space<hbm>>
    tpu.enqueue_indirect_dma source(%dma_start3A_19 : memref<100000x64xf32, #tpu.memory_space<hbm>>) target(%dma_start3A_13 : memref<128x64xf32, #tpu.memory_space<vmem>>) offsets(%dma_start3A_16 : memref<128xi32, #tpu.memory_space<vmem>>) semaphore(%arg8 : memref<!tpu.dma_semaphore, #tpu.memory_space<semaphore_mem>>)
    %dma_start3A_20 = arith.constant 2 : i32
    %dma_start3A_21 = arith.constant 256 : i32
    %dma_start3A_22 = arith.constant 0 : i32
    %dma_start3A_23 = tpu.memref_slice %arg6[%dma_start3A_21, %dma_start3A_22] : memref<640x64xf32, #tpu.memory_space<vmem>> -> memref<128x64xf32, #tpu.memory_space<vmem>>
    %dma_start3A_24 = arith.constant 0 : i32
    %dma_start3A_25 = tpu.memref_slice %arg5[%dma_start3A_20, %dma_start3A_24] : memref<5x128xi32, #tpu.memory_space<vmem>> -> memref<1x128xi32, #tpu.memory_space<vmem>>
    %dma_start3A_26 = tpu.memref_squeeze %dma_start3A_25 : memref<1x128xi32, #tpu.memory_space<vmem>> -> memref<128xi32, #tpu.memory_space<vmem>>
    %dma_start3A_27 = arith.constant 0 : i32
    %dma_start3A_28 = arith.constant 0 : i32
    %dma_start3A_29 = tpu.memref_slice %arg2[%dma_start3A_27, %dma_start3A_28] : memref<100000x64xf32, #tpu.memory_space<hbm>> -> memref<100000x64xf32, #tpu.memory_space<hbm>>
    tpu.enqueue_indirect_dma source(%dma_start3A_29 : memref<100000x64xf32, #tpu.memory_space<hbm>>) target(%dma_start3A_23 : memref<128x64xf32, #tpu.memory_space<vmem>>) offsets(%dma_start3A_26 : memref<128xi32, #tpu.memory_space<vmem>>) semaphore(%arg8 : memref<!tpu.dma_semaphore, #tpu.memory_space<semaphore_mem>>)
    %dma_start3A_30 = arith.constant 3 : i32
    %dma_start3A_31 = arith.constant 384 : i32
    %dma_start3A_32 = arith.constant 0 : i32
    %dma_start3A_33 = tpu.memref_slice %arg6[%dma_start3A_31, %dma_start3A_32] : memref<640x64xf32, #tpu.memory_space<vmem>> -> memref<128x64xf32, #tpu.memory_space<vmem>>
    %dma_start3A_34 = arith.constant 0 : i32
    %dma_start3A_35 = tpu.memref_slice %arg5[%dma_start3A_30, %dma_start3A_34] : memref<5x128xi32, #tpu.memory_space<vmem>> -> memref<1x128xi32, #tpu.memory_space<vmem>>
    %dma_start3A_36 = tpu.memref_squeeze %dma_start3A_35 : memref<1x128xi32, #tpu.memory_space<vmem>> -> memref<128xi32, #tpu.memory_space<vmem>>
    %dma_start3A_37 = arith.constant 0 : i32
    %dma_start3A_38 = arith.constant 0 : i32
    %dma_start3A_39 = tpu.memref_slice %arg2[%dma_start3A_37, %dma_start3A_38] : memref<100000x64xf32, #tpu.memory_space<hbm>> -> memref<100000x64xf32, #tpu.memory_space<hbm>>
    tpu.enqueue_indirect_dma source(%dma_start3A_39 : memref<100000x64xf32, #tpu.memory_space<hbm>>) target(%dma_start3A_33 : memref<128x64xf32, #tpu.memory_space<vmem>>) offsets(%dma_start3A_36 : memref<128xi32, #tpu.memory_space<vmem>>) semaphore(%arg8 : memref<!tpu.dma_semaphore, #tpu.memory_space<semaphore_mem>>)
    %dma_start3A_40 = arith.constant 4 : i32
    %dma_start3A_41 = arith.constant 512 : i32
    %dma_start3A_42 = arith.constant 0 : i32
    %dma_start3A_43 = tpu.memref_slice %arg6[%dma_start3A_41, %dma_start3A_42] : memref<640x64xf32, #tpu.memory_space<vmem>> -> memref<128x64xf32, #tpu.memory_space<vmem>>
    %dma_start3A_44 = arith.constant 0 : i32
    %dma_start3A_45 = tpu.memref_slice %arg5[%dma_start3A_40, %dma_start3A_44] : memref<5x128xi32, #tpu.memory_space<vmem>> -> memref<1x128xi32, #tpu.memory_space<vmem>>
    %dma_start3A_46 = tpu.memref_squeeze %dma_start3A_45 : memref<1x128xi32, #tpu.memory_space<vmem>> -> memref<128xi32, #tpu.memory_space<vmem>>
    %dma_start3A_47 = arith.constant 0 : i32
    %dma_start3A_48 = arith.constant 0 : i32
    %dma_start3A_49 = tpu.memref_slice %arg2[%dma_start3A_47, %dma_start3A_48] : memref<100000x64xf32, #tpu.memory_space<hbm>> -> memref<100000x64xf32, #tpu.memory_space<hbm>>
    tpu.enqueue_indirect_dma source(%dma_start3A_49 : memref<100000x64xf32, #tpu.memory_space<hbm>>) target(%dma_start3A_43 : memref<128x64xf32, #tpu.memory_space<vmem>>) offsets(%dma_start3A_46 : memref<128xi32, #tpu.memory_space<vmem>>) semaphore(%arg8 : memref<!tpu.dma_semaphore, #tpu.memory_space<semaphore_mem>>)
    %dma_wait3A = arith.constant 0 : i32
    %dma_wait3A_50 = arith.constant 0 : i32
    %dma_wait3A_51 = arith.constant 0 : i32
    %dma_wait3A_52 = tpu.memref_slice %arg6[%dma_wait3A_50, %dma_wait3A_51] : memref<640x64xf32, #tpu.memory_space<vmem>> -> memref<128x64xf32, #tpu.memory_space<vmem>>
    %dma_wait3A_53 = arith.constant 0 : i32
    %dma_wait3A_54 = tpu.memref_slice %arg5[%dma_wait3A, %dma_wait3A_53] : memref<5x128xi32, #tpu.memory_space<vmem>> -> memref<1x128xi32, #tpu.memory_space<vmem>>
    %dma_wait3A_55 = tpu.memref_squeeze %dma_wait3A_54 : memref<1x128xi32, #tpu.memory_space<vmem>> -> memref<128xi32, #tpu.memory_space<vmem>>
    %dma_wait3A_56 = arith.constant 0 : i32
    %dma_wait3A_57 = arith.constant 0 : i32
    %dma_wait3A_58 = tpu.memref_slice %arg2[%dma_wait3A_56, %dma_wait3A_57] : memref<100000x64xf32, #tpu.memory_space<hbm>> -> memref<100000x64xf32, #tpu.memory_space<hbm>>
    tpu.wait_indirect_dma semaphore(%arg8 : memref<!tpu.dma_semaphore, #tpu.memory_space<semaphore_mem>>) src(%dma_wait3A_58 : memref<100000x64xf32, #tpu.memory_space<hbm>>) dst(%dma_wait3A_52 : memref<128x64xf32, #tpu.memory_space<vmem>>)
    %dma_wait3A_59 = arith.constant 1 : i32
    %dma_wait3A_60 = arith.constant 128 : i32
    %dma_wait3A_61 = arith.constant 0 : i32
    %dma_wait3A_62 = tpu.memref_slice %arg6[%dma_wait3A_60, %dma_wait3A_61] : memref<640x64xf32, #tpu.memory_space<vmem>> -> memref<128x64xf32, #tpu.memory_space<vmem>>
    %dma_wait3A_63 = arith.constant 0 : i32
    %dma_wait3A_64 = tpu.memref_slice %arg5[%dma_wait3A_59, %dma_wait3A_63] : memref<5x128xi32, #tpu.memory_space<vmem>> -> memref<1x128xi32, #tpu.memory_space<vmem>>
    %dma_wait3A_65 = tpu.memref_squeeze %dma_wait3A_64 : memref<1x128xi32, #tpu.memory_space<vmem>> -> memref<128xi32, #tpu.memory_space<vmem>>
    %dma_wait3A_66 = arith.constant 0 : i32
    %dma_wait3A_67 = arith.constant 0 : i32
    %dma_wait3A_68 = tpu.memref_slice %arg2[%dma_wait3A_66, %dma_wait3A_67] : memref<100000x64xf32, #tpu.memory_space<hbm>> -> memref<100000x64xf32, #tpu.memory_space<hbm>>
    tpu.wait_indirect_dma semaphore(%arg8 : memref<!tpu.dma_semaphore, #tpu.memory_space<semaphore_mem>>) src(%dma_wait3A_68 : memref<100000x64xf32, #tpu.memory_space<hbm>>) dst(%dma_wait3A_62 : memref<128x64xf32, #tpu.memory_space<vmem>>)
    %dma_wait3A_69 = arith.constant 2 : i32
    %dma_wait3A_70 = arith.constant 256 : i32
    %dma_wait3A_71 = arith.constant 0 : i32
    %dma_wait3A_72 = tpu.memref_slice %arg6[%dma_wait3A_70, %dma_wait3A_71] : memref<640x64xf32, #tpu.memory_space<vmem>> -> memref<128x64xf32, #tpu.memory_space<vmem>>
    %dma_wait3A_73 = arith.constant 0 : i32
    %dma_wait3A_74 = tpu.memref_slice %arg5[%dma_wait3A_69, %dma_wait3A_73] : memref<5x128xi32, #tpu.memory_space<vmem>> -> memref<1x128xi32, #tpu.memory_space<vmem>>
    %dma_wait3A_75 = tpu.memref_squeeze %dma_wait3A_74 : memref<1x128xi32, #tpu.memory_space<vmem>> -> memref<128xi32, #tpu.memory_space<vmem>>
    %dma_wait3A_76 = arith.constant 0 : i32
    %dma_wait3A_77 = arith.constant 0 : i32
    %dma_wait3A_78 = tpu.memref_slice %arg2[%dma_wait3A_76, %dma_wait3A_77] : memref<100000x64xf32, #tpu.memory_space<hbm>> -> memref<100000x64xf32, #tpu.memory_space<hbm>>
    tpu.wait_indirect_dma semaphore(%arg8 : memref<!tpu.dma_semaphore, #tpu.memory_space<semaphore_mem>>) src(%dma_wait3A_78 : memref<100000x64xf32, #tpu.memory_space<hbm>>) dst(%dma_wait3A_72 : memref<128x64xf32, #tpu.memory_space<vmem>>)
    %dma_wait3A_79 = arith.constant 3 : i32
    %dma_wait3A_80 = arith.constant 384 : i32
    %dma_wait3A_81 = arith.constant 0 : i32
    %dma_wait3A_82 = tpu.memref_slice %arg6[%dma_wait3A_80, %dma_wait3A_81] : memref<640x64xf32, #tpu.memory_space<vmem>> -> memref<128x64xf32, #tpu.memory_space<vmem>>
    %dma_wait3A_83 = arith.constant 0 : i32
    %dma_wait3A_84 = tpu.memref_slice %arg5[%dma_wait3A_79, %dma_wait3A_83] : memref<5x128xi32, #tpu.memory_space<vmem>> -> memref<1x128xi32, #tpu.memory_space<vmem>>
    %dma_wait3A_85 = tpu.memref_squeeze %dma_wait3A_84 : memref<1x128xi32, #tpu.memory_space<vmem>> -> memref<128xi32, #tpu.memory_space<vmem>>
    %dma_wait3A_86 = arith.constant 0 : i32
    %dma_wait3A_87 = arith.constant 0 : i32
    %dma_wait3A_88 = tpu.memref_slice %arg2[%dma_wait3A_86, %dma_wait3A_87] : memref<100000x64xf32, #tpu.memory_space<hbm>> -> memref<100000x64xf32, #tpu.memory_space<hbm>>
    tpu.wait_indirect_dma semaphore(%arg8 : memref<!tpu.dma_semaphore, #tpu.memory_space<semaphore_mem>>) src(%dma_wait3A_88 : memref<100000x64xf32, #tpu.memory_space<hbm>>) dst(%dma_wait3A_82 : memref<128x64xf32, #tpu.memory_space<vmem>>)
    %dma_wait3A_89 = arith.constant 4 : i32
    %dma_wait3A_90 = arith.constant 512 : i32
    %dma_wait3A_91 = arith.constant 0 : i32
    %dma_wait3A_92 = tpu.memref_slice %arg6[%dma_wait3A_90, %dma_wait3A_91] : memref<640x64xf32, #tpu.memory_space<vmem>> -> memref<128x64xf32, #tpu.memory_space<vmem>>
    %dma_wait3A_93 = arith.constant 0 : i32
    %dma_wait3A_94 = tpu.memref_slice %arg5[%dma_wait3A_89, %dma_wait3A_93] : memref<5x128xi32, #tpu.memory_space<vmem>> -> memref<1x128xi32, #tpu.memory_space<vmem>>
    %dma_wait3A_95 = tpu.memref_squeeze %dma_wait3A_94 : memref<1x128xi32, #tpu.memory_space<vmem>> -> memref<128xi32, #tpu.memory_space<vmem>>
    %dma_wait3A_96 = arith.constant 0 : i32
    %dma_wait3A_97 = arith.constant 0 : i32
    %dma_wait3A_98 = tpu.memref_slice %arg2[%dma_wait3A_96, %dma_wait3A_97] : memref<100000x64xf32, #tpu.memory_space<hbm>> -> memref<100000x64xf32, #tpu.memory_space<hbm>>
    tpu.wait_indirect_dma semaphore(%arg8 : memref<!tpu.dma_semaphore, #tpu.memory_space<semaphore_mem>>) src(%dma_wait3A_98 : memref<100000x64xf32, #tpu.memory_space<hbm>>) dst(%dma_wait3A_92 : memref<128x64xf32, #tpu.memory_space<vmem>>)
    %scan3A = arith.constant 0 : i32
    %scan3A_99 = arith.constant 0 : i32
    %scan3A_100 = arith.constant 32 : i32
    %scan3A_101 = arith.addi %scan3A_99, %scan3A_100 : i32
    %scan3A_102 = arith.constant 1 : i32
    scf.for %scan3A_106 = %scan3A_99 to %scan3A_101 step %scan3A_102  : i32 {
      %mul3A_107 = arith.constant 20 : i32
      %mul3A_108 = arith.muli %scan3A_106, %mul3A_107 : i32
      %get3A = arith.index_cast %mul3A_108 : i32 to index
      %get3A_109 = arith.constant 0 : index
      %get3A_110 = tpu.vector_load %arg6[%get3A, %get3A_109] {strides = array<i32>} : memref<640x64xf32, #tpu.memory_space<vmem>>, vector<1x16xf32>,
      %get3A_111 = vector.shape_cast %get3A_110 : vector<1x16xf32> to vector<16xf32>
      %add3A_112 = arith.constant 1 : i32
      %add3A_113 = arith.addi %mul3A_108, %add3A_112 : i32
      %get3A_114 = arith.index_cast %add3A_113 : i32 to index
      %get3A_115 = arith.constant 0 : index
      %get3A_116 = tpu.vector_load %arg6[%get3A_114, %get3A_115] {strides = array<i32>} : memref<640x64xf32, #tpu.memory_space<vmem>>, vector<1x16xf32>,
      %get3A_117 = vector.shape_cast %get3A_116 : vector<1x16xf32> to vector<16xf32>
      %add3A_118 = arith.addf %get3A_111, %get3A_117 : vector<16xf32>
      %add3A_119 = arith.constant 2 : i32
      %add3A_120 = arith.addi %mul3A_108, %add3A_119 : i32
      %get3A_121 = arith.index_cast %add3A_120 : i32 to index
      %get3A_122 = arith.constant 0 : index
      %get3A_123 = tpu.vector_load %arg6[%get3A_121, %get3A_122] {strides = array<i32>} : memref<640x64xf32, #tpu.memory_space<vmem>>, vector<1x16xf32>,
      %get3A_124 = vector.shape_cast %get3A_123 : vector<1x16xf32> to vector<16xf32>
      %add3A_125 = arith.addf %add3A_118, %get3A_124 : vector<16xf32>
      %add3A_126 = arith.constant 3 : i32
      %add3A_127 = arith.addi %mul3A_108, %add3A_126 : i32
      %get3A_128 = arith.index_cast %add3A_127 : i32 to index
      %get3A_129 = arith.constant 0 : index
      %get3A_130 = tpu.vector_load %arg6[%get3A_128, %get3A_129] {strides = array<i32>} : memref<640x64xf32, #tpu.memory_space<vmem>>, vector<1x16xf32>,
      %get3A_131 = vector.shape_cast %get3A_130 : vector<1x16xf32> to vector<16xf32>
      %add3A_132 = arith.addf %add3A_125, %get3A_131 : vector<16xf32>
      %add3A_133 = arith.constant 4 : i32
      %add3A_134 = arith.addi %mul3A_108, %add3A_133 : i32
      %get3A_135 = arith.index_cast %add3A_134 : i32 to index
      %get3A_136 = arith.constant 0 : index
      %get3A_137 = tpu.vector_load %arg6[%get3A_135, %get3A_136] {strides = array<i32>} : memref<640x64xf32, #tpu.memory_space<vmem>>, vector<1x16xf32>,
      %get3A_138 = vector.shape_cast %get3A_137 : vector<1x16xf32> to vector<16xf32>
      %add3A_139 = arith.addf %add3A_132, %get3A_138 : vector<16xf32>
      %add3A_140 = arith.constant 5 : i32
      %add3A_141 = arith.addi %mul3A_108, %add3A_140 : i32
      %get3A_142 = arith.index_cast %add3A_141 : i32 to index
      %get3A_143 = arith.constant 0 : index
      %get3A_144 = tpu.vector_load %arg6[%get3A_142, %get3A_143] {strides = array<i32>} : memref<640x64xf32, #tpu.memory_space<vmem>>, vector<1x16xf32>,
      %get3A_145 = vector.shape_cast %get3A_144 : vector<1x16xf32> to vector<16xf32>
      %add3A_146 = arith.addf %add3A_139, %get3A_145 : vector<16xf32>
      %add3A_147 = arith.constant 6 : i32
      %add3A_148 = arith.addi %mul3A_108, %add3A_147 : i32
      %get3A_149 = arith.index_cast %add3A_148 : i32 to index
      %get3A_150 = arith.constant 0 : index
      %get3A_151 = tpu.vector_load %arg6[%get3A_149, %get3A_150] {strides = array<i32>} : memref<640x64xf32, #tpu.memory_space<vmem>>, vector<1x16xf32>,
      %get3A_152 = vector.shape_cast %get3A_151 : vector<1x16xf32> to vector<16xf32>
      %add3A_153 = arith.addf %add3A_146, %get3A_152 : vector<16xf32>
      %add3A_154 = arith.constant 7 : i32
      %add3A_155 = arith.addi %mul3A_108, %add3A_154 : i32
      %get3A_156 = arith.index_cast %add3A_155 : i32 to index
      %get3A_157 = arith.constant 0 : index
      %get3A_158 = tpu.vector_load %arg6[%get3A_156, %get3A_157] {strides = array<i32>} : memref<640x64xf32, #tpu.memory_space<vmem>>, vector<1x16xf32>,
      %get3A_159 = vector.shape_cast %get3A_158 : vector<1x16xf32> to vector<16xf32>
      %add3A_160 = arith.addf %add3A_153, %get3A_159 : vector<16xf32>
      %add3A_161 = arith.constant 8 : i32
      %add3A_162 = arith.addi %mul3A_108, %add3A_161 : i32
      %get3A_163 = arith.index_cast %add3A_162 : i32 to index
      %get3A_164 = arith.constant 0 : index
      %get3A_165 = tpu.vector_load %arg6[%get3A_163, %get3A_164] {strides = array<i32>} : memref<640x64xf32, #tpu.memory_space<vmem>>, vector<1x16xf32>,
      %get3A_166 = vector.shape_cast %get3A_165 : vector<1x16xf32> to vector<16xf32>
      %add3A_167 = arith.addf %add3A_160, %get3A_166 : vector<16xf32>
      %add3A_168 = arith.constant 9 : i32
      %add3A_169 = arith.addi %mul3A_108, %add3A_168 : i32
      %get3A_170 = arith.index_cast %add3A_169 : i32 to index
      %get3A_171 = arith.constant 0 : index
      %get3A_172 = tpu.vector_load %arg6[%get3A_170, %get3A_171] {strides = array<i32>} : memref<640x64xf32, #tpu.memory_space<vmem>>, vector<1x16xf32>,
      %get3A_173 = vector.shape_cast %get3A_172 : vector<1x16xf32> to vector<16xf32>
      %add3A_174 = arith.addf %add3A_167, %get3A_173 : vector<16xf32>
      %add3A_175 = arith.constant 10 : i32
      %add3A_176 = arith.addi %mul3A_108, %add3A_175 : i32
      %get3A_177 = arith.index_cast %add3A_176 : i32 to index
      %get3A_178 = arith.constant 0 : index
      %get3A_179 = tpu.vector_load %arg6[%get3A_177, %get3A_178] {strides = array<i32>} : memref<640x64xf32, #tpu.memory_space<vmem>>, vector<1x16xf32>,
      %get3A_180 = vector.shape_cast %get3A_179 : vector<1x16xf32> to vector<16xf32>
      %add3A_181 = arith.addf %add3A_174, %get3A_180 : vector<16xf32>
      %add3A_182 = arith.constant 11 : i32
      %add3A_183 = arith.addi %mul3A_108, %add3A_182 : i32
      %get3A_184 = arith.index_cast %add3A_183 : i32 to index
      %get3A_185 = arith.constant 0 : index
      %get3A_186 = tpu.vector_load %arg6[%get3A_184, %get3A_185] {strides = array<i32>} : memref<640x64xf32, #tpu.memory_space<vmem>>, vector<1x16xf32>,
      %get3A_187 = vector.shape_cast %get3A_186 : vector<1x16xf32> to vector<16xf32>
      %add3A_188 = arith.addf %add3A_181, %get3A_187 : vector<16xf32>
      %add3A_189 = arith.constant 12 : i32
      %add3A_190 = arith.addi %mul3A_108, %add3A_189 : i32
      %get3A_191 = arith.index_cast %add3A_190 : i32 to index
      %get3A_192 = arith.constant 0 : index
      %get3A_193 = tpu.vector_load %arg6[%get3A_191, %get3A_192] {strides = array<i32>} : memref<640x64xf32, #tpu.memory_space<vmem>>, vector<1x16xf32>,
      %get3A_194 = vector.shape_cast %get3A_193 : vector<1x16xf32> to vector<16xf32>
      %add3A_195 = arith.addf %add3A_188, %get3A_194 : vector<16xf32>
      %add3A_196 = arith.constant 13 : i32
      %add3A_197 = arith.addi %mul3A_108, %add3A_196 : i32
      %get3A_198 = arith.index_cast %add3A_197 : i32 to index
      %get3A_199 = arith.constant 0 : index
      %get3A_200 = tpu.vector_load %arg6[%get3A_198, %get3A_199] {strides = array<i32>} : memref<640x64xf32, #tpu.memory_space<vmem>>, vector<1x16xf32>,
      %get3A_201 = vector.shape_cast %get3A_200 : vector<1x16xf32> to vector<16xf32>
      %add3A_202 = arith.addf %add3A_195, %get3A_201 : vector<16xf32>
      %add3A_203 = arith.constant 14 : i32
      %add3A_204 = arith.addi %mul3A_108, %add3A_203 : i32
      %get3A_205 = arith.index_cast %add3A_204 : i32 to index
      %get3A_206 = arith.constant 0 : index
      %get3A_207 = tpu.vector_load %arg6[%get3A_205, %get3A_206] {strides = array<i32>} : memref<640x64xf32, #tpu.memory_space<vmem>>, vector<1x16xf32>,
      %get3A_208 = vector.shape_cast %get3A_207 : vector<1x16xf32> to vector<16xf32>
      %add3A_209 = arith.addf %add3A_202, %get3A_208 : vector<16xf32>
      %add3A_210 = arith.constant 15 : i32
      %add3A_211 = arith.addi %mul3A_108, %add3A_210 : i32
      %get3A_212 = arith.index_cast %add3A_211 : i32 to index
      %get3A_213 = arith.constant 0 : index
      %get3A_214 = tpu.vector_load %arg6[%get3A_212, %get3A_213] {strides = array<i32>} : memref<640x64xf32, #tpu.memory_space<vmem>>, vector<1x16xf32>,
      %get3A_215 = vector.shape_cast %get3A_214 : vector<1x16xf32> to vector<16xf32>
      %add3A_216 = arith.addf %add3A_209, %get3A_215 : vector<16xf32>
      %add3A_217 = arith.constant 16 : i32
      %add3A_218 = arith.addi %mul3A_108, %add3A_217 : i32
      %get3A_219 = arith.index_cast %add3A_218 : i32 to index
      %get3A_220 = arith.constant 0 : index
      %get3A_221 = tpu.vector_load %arg6[%get3A_219, %get3A_220] {strides = array<i32>} : memref<640x64xf32, #tpu.memory_space<vmem>>, vector<1x16xf32>,
      %get3A_222 = vector.shape_cast %get3A_221 : vector<1x16xf32> to vector<16xf32>
      %add3A_223 = arith.addf %add3A_216, %get3A_222 : vector<16xf32>
      %add3A_224 = arith.constant 17 : i32
      %add3A_225 = arith.addi %mul3A_108, %add3A_224 : i32
      %get3A_226 = arith.index_cast %add3A_225 : i32 to index
      %get3A_227 = arith.constant 0 : index
      %get3A_228 = tpu.vector_load %arg6[%get3A_226, %get3A_227] {strides = array<i32>} : memref<640x64xf32, #tpu.memory_space<vmem>>, vector<1x16xf32>,
      %get3A_229 = vector.shape_cast %get3A_228 : vector<1x16xf32> to vector<16xf32>
      %add3A_230 = arith.addf %add3A_223, %get3A_229 : vector<16xf32>
      %add3A_231 = arith.constant 18 : i32
      %add3A_232 = arith.addi %mul3A_108, %add3A_231 : i32
      %get3A_233 = arith.index_cast %add3A_232 : i32 to index
      %get3A_234 = arith.constant 0 : index
      %get3A_235 = tpu.vector_load %arg6[%get3A_233, %get3A_234] {strides = array<i32>} : memref<640x64xf32, #tpu.memory_space<vmem>>, vector<1x16xf32>,
      %get3A_236 = vector.shape_cast %get3A_235 : vector<1x16xf32> to vector<16xf32>
      %add3A_237 = arith.addf %add3A_230, %get3A_236 : vector<16xf32>
      %add3A_238 = arith.constant 19 : i32
      %add3A_239 = arith.addi %mul3A_108, %add3A_238 : i32
      %get3A_240 = arith.index_cast %add3A_239 : i32 to index
      %get3A_241 = arith.constant 0 : index
      %get3A_242 = tpu.vector_load %arg6[%get3A_240, %get3A_241] {strides = array<i32>} : memref<640x64xf32, #tpu.memory_space<vmem>>, vector<1x16xf32>,
      %get3A_243 = vector.shape_cast %get3A_242 : vector<1x16xf32> to vector<16xf32>
      %add3A_244 = arith.addf %add3A_237, %get3A_243 : vector<16xf32>
      %mul3A_245 = arith.constant 5.000000e-02 : f32
      %mul3A_246 = vector.broadcast %mul3A_245 : f32 to vector<16xf32>
      %mul3A_247 = arith.mulf %add3A_244, %mul3A_246 : vector<16xf32>
      %swap3A = arith.index_cast %scan3A_106 : i32 to index
      %swap3A_248 = arith.constant 0 : index
      %swap3A_249 = tpu.vector_load %arg7[%swap3A, %swap3A_248] {strides = array<i32>} : memref<32x64xf32, #tpu.memory_space<vmem>>, vector<1x16xf32>,
      %swap3A_250 = vector.shape_cast %swap3A_249 : vector<1x16xf32> to vector<16xf32>
      %swap3A_251 = vector.shape_cast %mul3A_247 : vector<16xf32> to vector<1x16xf32>
      tpu.vector_store %arg7[%swap3A, %swap3A_248], %swap3A_251 {strides = array<i32>} : memref<32x64xf32, #tpu.memory_space<vmem>>, vector<1x16xf32>,
      %get3A_252 = arith.index_cast %mul3A_108 : i32 to index
      %get3A_253 = arith.constant 16 : index
      %get3A_254 = tpu.vector_load %arg6[%get3A_252, %get3A_253] {strides = array<i32>} : memref<640x64xf32, #tpu.memory_space<vmem>>, vector<1x16xf32>,
      %get3A_255 = vector.shape_cast %get3A_254 : vector<1x16xf32> to vector<16xf32>
      %add3A_256 = arith.constant 1 : i32
      %add3A_257 = arith.addi %mul3A_108, %add3A_256 : i32
      %get3A_258 = arith.index_cast %add3A_257 : i32 to index
      %get3A_259 = arith.constant 16 : index
      %get3A_260 = tpu.vector_load %arg6[%get3A_258, %get3A_259] {strides = array<i32>} : memref<640x64xf32, #tpu.memory_space<vmem>>, vector<1x16xf32>,
      %get3A_261 = vector.shape_cast %get3A_260 : vector<1x16xf32> to vector<16xf32>
      %add3A_262 = arith.addf %get3A_255, %get3A_261 : vector<16xf32>
      %add3A_263 = arith.constant 2 : i32
      %add3A_264 = arith.addi %mul3A_108, %add3A_263 : i32
      %get3A_265 = arith.index_cast %add3A_264 : i32 to index
      %get3A_266 = arith.constant 16 : index
      %get3A_267 = tpu.vector_load %arg6[%get3A_265, %get3A_266] {strides = array<i32>} : memref<640x64xf32, #tpu.memory_space<vmem>>, vector<1x16xf32>,
      %get3A_268 = vector.shape_cast %get3A_267 : vector<1x16xf32> to vector<16xf32>
      %add3A_269 = arith.addf %add3A_262, %get3A_268 : vector<16xf32>
      %add3A_270 = arith.constant 3 : i32
      %add3A_271 = arith.addi %mul3A_108, %add3A_270 : i32
      %get3A_272 = arith.index_cast %add3A_271 : i32 to index
      %get3A_273 = arith.constant 16 : index
      %get3A_274 = tpu.vector_load %arg6[%get3A_272, %get3A_273] {strides = array<i32>} : memref<640x64xf32, #tpu.memory_space<vmem>>, vector<1x16xf32>,
      %get3A_275 = vector.shape_cast %get3A_274 : vector<1x16xf32> to vector<16xf32>
      %add3A_276 = arith.addf %add3A_269, %get3A_275 : vector<16xf32>
      %add3A_277 = arith.constant 4 : i32
      %add3A_278 = arith.addi %mul3A_108, %add3A_277 : i32
      %get3A_279 = arith.index_cast %add3A_278 : i32 to index
      %get3A_280 = arith.constant 16 : index
      %get3A_281 = tpu.vector_load %arg6[%get3A_279, %get3A_280] {strides = array<i32>} : memref<640x64xf32, #tpu.memory_space<vmem>>, vector<1x16xf32>,
      %get3A_282 = vector.shape_cast %get3A_281 : vector<1x16xf32> to vector<16xf32>
      %add3A_283 = arith.addf %add3A_276, %get3A_282 : vector<16xf32>
      %add3A_284 = arith.constant 5 : i32
      %add3A_285 = arith.addi %mul3A_108, %add3A_284 : i32
      %get3A_286 = arith.index_cast %add3A_285 : i32 to index
      %get3A_287 = arith.constant 16 : index
      %get3A_288 = tpu.vector_load %arg6[%get3A_286, %get3A_287] {strides = array<i32>} : memref<640x64xf32, #tpu.memory_space<vmem>>, vector<1x16xf32>,
      %get3A_289 = vector.shape_cast %get3A_288 : vector<1x16xf32> to vector<16xf32>
      %add3A_290 = arith.addf %add3A_283, %get3A_289 : vector<16xf32>
      %add3A_291 = arith.constant 6 : i32
      %add3A_292 = arith.addi %mul3A_108, %add3A_291 : i32
      %get3A_293 = arith.index_cast %add3A_292 : i32 to index
      %get3A_294 = arith.constant 16 : index
      %get3A_295 = tpu.vector_load %arg6[%get3A_293, %get3A_294] {strides = array<i32>} : memref<640x64xf32, #tpu.memory_space<vmem>>, vector<1x16xf32>,
      %get3A_296 = vector.shape_cast %get3A_295 : vector<1x16xf32> to vector<16xf32>
      %add3A_297 = arith.addf %add3A_290, %get3A_296 : vector<16xf32>
      %add3A_298 = arith.constant 7 : i32
      %add3A_299 = arith.addi %mul3A_108, %add3A_298 : i32
      %get3A_300 = arith.index_cast %add3A_299 : i32 to index
      %get3A_301 = arith.constant 16 : index
      %get3A_302 = tpu.vector_load %arg6[%get3A_300, %get3A_301] {strides = array<i32>} : memref<640x64xf32, #tpu.memory_space<vmem>>, vector<1x16xf32>,
      %get3A_303 = vector.shape_cast %get3A_302 : vector<1x16xf32> to vector<16xf32>
      %add3A_304 = arith.addf %add3A_297, %get3A_303 : vector<16xf32>
      %add3A_305 = arith.constant 8 : i32
      %add3A_306 = arith.addi %mul3A_108, %add3A_305 : i32
      %get3A_307 = arith.index_cast %add3A_306 : i32 to index
      %get3A_308 = arith.constant 16 : index
      %get3A_309 = tpu.vector_load %arg6[%get3A_307, %get3A_308] {strides = array<i32>} : memref<640x64xf32, #tpu.memory_space<vmem>>, vector<1x16xf32>,
      %get3A_310 = vector.shape_cast %get3A_309 : vector<1x16xf32> to vector<16xf32>
      %add3A_311 = arith.addf %add3A_304, %get3A_310 : vector<16xf32>
      %add3A_312 = arith.constant 9 : i32
      %add3A_313 = arith.addi %mul3A_108, %add3A_312 : i32
      %get3A_314 = arith.index_cast %add3A_313 : i32 to index
      %get3A_315 = arith.constant 16 : index
      %get3A_316 = tpu.vector_load %arg6[%get3A_314, %get3A_315] {strides = array<i32>} : memref<640x64xf32, #tpu.memory_space<vmem>>, vector<1x16xf32>,
      %get3A_317 = vector.shape_cast %get3A_316 : vector<1x16xf32> to vector<16xf32>
      %add3A_318 = arith.addf %add3A_311, %get3A_317 : vector<16xf32>
      %add3A_319 = arith.constant 10 : i32
      %add3A_320 = arith.addi %mul3A_108, %add3A_319 : i32
      %get3A_321 = arith.index_cast %add3A_320 : i32 to index
      %get3A_322 = arith.constant 16 : index
      %get3A_323 = tpu.vector_load %arg6[%get3A_321, %get3A_322] {strides = array<i32>} : memref<640x64xf32, #tpu.memory_space<vmem>>, vector<1x16xf32>,
      %get3A_324 = vector.shape_cast %get3A_323 : vector<1x16xf32> to vector<16xf32>
      %add3A_325 = arith.addf %add3A_318, %get3A_324 : vector<16xf32>
      %add3A_326 = arith.constant 11 : i32
      %add3A_327 = arith.addi %mul3A_108, %add3A_326 : i32
      %get3A_328 = arith.index_cast %add3A_327 : i32 to index
      %get3A_329 = arith.constant 16 : index
      %get3A_330 = tpu.vector_load %arg6[%get3A_328, %get3A_329] {strides = array<i32>} : memref<640x64xf32, #tpu.memory_space<vmem>>, vector<1x16xf32>,
      %get3A_331 = vector.shape_cast %get3A_330 : vector<1x16xf32> to vector<16xf32>
      %add3A_332 = arith.addf %add3A_325, %get3A_331 : vector<16xf32>
      %add3A_333 = arith.constant 12 : i32
      %add3A_334 = arith.addi %mul3A_108, %add3A_333 : i32
      %get3A_335 = arith.index_cast %add3A_334 : i32 to index
      %get3A_336 = arith.constant 16 : index
      %get3A_337 = tpu.vector_load %arg6[%get3A_335, %get3A_336] {strides = array<i32>} : memref<640x64xf32, #tpu.memory_space<vmem>>, vector<1x16xf32>,
      %get3A_338 = vector.shape_cast %get3A_337 : vector<1x16xf32> to vector<16xf32>
      %add3A_339 = arith.addf %add3A_332, %get3A_338 : vector<16xf32>
      %add3A_340 = arith.constant 13 : i32
      %add3A_341 = arith.addi %mul3A_108, %add3A_340 : i32
      %get3A_342 = arith.index_cast %add3A_341 : i32 to index
      %get3A_343 = arith.constant 16 : index
      %get3A_344 = tpu.vector_load %arg6[%get3A_342, %get3A_343] {strides = array<i32>} : memref<640x64xf32, #tpu.memory_space<vmem>>, vector<1x16xf32>,
      %get3A_345 = vector.shape_cast %get3A_344 : vector<1x16xf32> to vector<16xf32>
      %add3A_346 = arith.addf %add3A_339, %get3A_345 : vector<16xf32>
      %add3A_347 = arith.constant 14 : i32
      %add3A_348 = arith.addi %mul3A_108, %add3A_347 : i32
      %get3A_349 = arith.index_cast %add3A_348 : i32 to index
      %get3A_350 = arith.constant 16 : index
      %get3A_351 = tpu.vector_load %arg6[%get3A_349, %get3A_350] {strides = array<i32>} : memref<640x64xf32, #tpu.memory_space<vmem>>, vector<1x16xf32>,
      %get3A_352 = vector.shape_cast %get3A_351 : vector<1x16xf32> to vector<16xf32>
      %add3A_353 = arith.addf %add3A_346, %get3A_352 : vector<16xf32>
      %add3A_354 = arith.constant 15 : i32
      %add3A_355 = arith.addi %mul3A_108, %add3A_354 : i32
      %get3A_356 = arith.index_cast %add3A_355 : i32 to index
      %get3A_357 = arith.constant 16 : index
      %get3A_358 = tpu.vector_load %arg6[%get3A_356, %get3A_357] {strides = array<i32>} : memref<640x64xf32, #tpu.memory_space<vmem>>, vector<1x16xf32>,
      %get3A_359 = vector.shape_cast %get3A_358 : vector<1x16xf32> to vector<16xf32>
      %add3A_360 = arith.addf %add3A_353, %get3A_359 : vector<16xf32>
      %add3A_361 = arith.constant 16 : i32
      %add3A_362 = arith.addi %mul3A_108, %add3A_361 : i32
      %get3A_363 = arith.index_cast %add3A_362 : i32 to index
      %get3A_364 = arith.constant 16 : index
      %get3A_365 = tpu.vector_load %arg6[%get3A_363, %get3A_364] {strides = array<i32>} : memref<640x64xf32, #tpu.memory_space<vmem>>, vector<1x16xf32>,
      %get3A_366 = vector.shape_cast %get3A_365 : vector<1x16xf32> to vector<16xf32>
      %add3A_367 = arith.addf %add3A_360, %get3A_366 : vector<16xf32>
      %add3A_368 = arith.constant 17 : i32
      %add3A_369 = arith.addi %mul3A_108, %add3A_368 : i32
      %get3A_370 = arith.index_cast %add3A_369 : i32 to index
      %get3A_371 = arith.constant 16 : index
      %get3A_372 = tpu.vector_load %arg6[%get3A_370, %get3A_371] {strides = array<i32>} : memref<640x64xf32, #tpu.memory_space<vmem>>, vector<1x16xf32>,
      %get3A_373 = vector.shape_cast %get3A_372 : vector<1x16xf32> to vector<16xf32>
      %add3A_374 = arith.addf %add3A_367, %get3A_373 : vector<16xf32>
      %add3A_375 = arith.constant 18 : i32
      %add3A_376 = arith.addi %mul3A_108, %add3A_375 : i32
      %get3A_377 = arith.index_cast %add3A_376 : i32 to index
      %get3A_378 = arith.constant 16 : index
      %get3A_379 = tpu.vector_load %arg6[%get3A_377, %get3A_378] {strides = array<i32>} : memref<640x64xf32, #tpu.memory_space<vmem>>, vector<1x16xf32>,
      %get3A_380 = vector.shape_cast %get3A_379 : vector<1x16xf32> to vector<16xf32>
      %add3A_381 = arith.addf %add3A_374, %get3A_380 : vector<16xf32>
      %add3A_382 = arith.constant 19 : i32
      %add3A_383 = arith.addi %mul3A_108, %add3A_382 : i32
      %get3A_384 = arith.index_cast %add3A_383 : i32 to index
      %get3A_385 = arith.constant 16 : index
      %get3A_386 = tpu.vector_load %arg6[%get3A_384, %get3A_385] {strides = array<i32>} : memref<640x64xf32, #tpu.memory_space<vmem>>, vector<1x16xf32>,
      %get3A_387 = vector.shape_cast %get3A_386 : vector<1x16xf32> to vector<16xf32>
      %add3A_388 = arith.addf %add3A_381, %get3A_387 : vector<16xf32>
      %mul3A_389 = arith.constant 5.000000e-02 : f32
      %mul3A_390 = vector.broadcast %mul3A_389 : f32 to vector<16xf32>
      %mul3A_391 = arith.mulf %add3A_388, %mul3A_390 : vector<16xf32>
      %swap3A_392 = arith.index_cast %scan3A_106 : i32 to index
      %swap3A_393 = arith.constant 16 : index
      %swap3A_394 = tpu.vector_load %arg7[%swap3A_392, %swap3A_393] {strides = array<i32>} : memref<32x64xf32, #tpu.memory_space<vmem>>, vector<1x16xf32>,
      %swap3A_395 = vector.shape_cast %swap3A_394 : vector<1x16xf32> to vector<16xf32>
      %swap3A_396 = vector.shape_cast %mul3A_391 : vector<16xf32> to vector<1x16xf32>
      tpu.vector_store %arg7[%swap3A_392, %swap3A_393], %swap3A_396 {strides = array<i32>} : memref<32x64xf32, #tpu.memory_space<vmem>>, vector<1x16xf32>,
      %get3A_397 = arith.index_cast %mul3A_108 : i32 to index
      %get3A_398 = arith.constant 32 : index
      %get3A_399 = tpu.vector_load %arg6[%get3A_397, %get3A_398] {strides = array<i32>} : memref<640x64xf32, #tpu.memory_space<vmem>>, vector<1x16xf32>,
      %get3A_400 = vector.shape_cast %get3A_399 : vector<1x16xf32> to vector<16xf32>
      %add3A_401 = arith.constant 1 : i32
      %add3A_402 = arith.addi %mul3A_108, %add3A_401 : i32
      %get3A_403 = arith.index_cast %add3A_402 : i32 to index
      %get3A_404 = arith.constant 32 : index
      %get3A_405 = tpu.vector_load %arg6[%get3A_403, %get3A_404] {strides = array<i32>} : memref<640x64xf32, #tpu.memory_space<vmem>>, vector<1x16xf32>,
      %get3A_406 = vector.shape_cast %get3A_405 : vector<1x16xf32> to vector<16xf32>
      %add3A_407 = arith.addf %get3A_400, %get3A_406 : vector<16xf32>
      %add3A_408 = arith.constant 2 : i32
      %add3A_409 = arith.addi %mul3A_108, %add3A_408 : i32
      %get3A_410 = arith.index_cast %add3A_409 : i32 to index
      %get3A_411 = arith.constant 32 : index
      %get3A_412 = tpu.vector_load %arg6[%get3A_410, %get3A_411] {strides = array<i32>} : memref<640x64xf32, #tpu.memory_space<vmem>>, vector<1x16xf32>,
      %get3A_413 = vector.shape_cast %get3A_412 : vector<1x16xf32> to vector<16xf32>
      %add3A_414 = arith.addf %add3A_407, %get3A_413 : vector<16xf32>
      %add3A_415 = arith.constant 3 : i32
      %add3A_416 = arith.addi %mul3A_108, %add3A_415 : i32
      %get3A_417 = arith.index_cast %add3A_416 : i32 to index
      %get3A_418 = arith.constant 32 : index
      %get3A_419 = tpu.vector_load %arg6[%get3A_417, %get3A_418] {strides = array<i32>} : memref<640x64xf32, #tpu.memory_space<vmem>>, vector<1x16xf32>,
      %get3A_420 = vector.shape_cast %get3A_419 : vector<1x16xf32> to vector<16xf32>
      %add3A_421 = arith.addf %add3A_414, %get3A_420 : vector<16xf32>
      %add3A_422 = arith.constant 4 : i32
      %add3A_423 = arith.addi %mul3A_108, %add3A_422 : i32
      %get3A_424 = arith.index_cast %add3A_423 : i32 to index
      %get3A_425 = arith.constant 32 : index
      %get3A_426 = tpu.vector_load %arg6[%get3A_424, %get3A_425] {strides = array<i32>} : memref<640x64xf32, #tpu.memory_space<vmem>>, vector<1x16xf32>,
      %get3A_427 = vector.shape_cast %get3A_426 : vector<1x16xf32> to vector<16xf32>
      %add3A_428 = arith.addf %add3A_421, %get3A_427 : vector<16xf32>
      %add3A_429 = arith.constant 5 : i32
      %add3A_430 = arith.addi %mul3A_108, %add3A_429 : i32
      %get3A_431 = arith.index_cast %add3A_430 : i32 to index
      %get3A_432 = arith.constant 32 : index
      %get3A_433 = tpu.vector_load %arg6[%get3A_431, %get3A_432] {strides = array<i32>} : memref<640x64xf32, #tpu.memory_space<vmem>>, vector<1x16xf32>,
      %get3A_434 = vector.shape_cast %get3A_433 : vector<1x16xf32> to vector<16xf32>
      %add3A_435 = arith.addf %add3A_428, %get3A_434 : vector<16xf32>
      %add3A_436 = arith.constant 6 : i32
      %add3A_437 = arith.addi %mul3A_108, %add3A_436 : i32
      %get3A_438 = arith.index_cast %add3A_437 : i32 to index
      %get3A_439 = arith.constant 32 : index
      %get3A_440 = tpu.vector_load %arg6[%get3A_438, %get3A_439] {strides = array<i32>} : memref<640x64xf32, #tpu.memory_space<vmem>>, vector<1x16xf32>,
      %get3A_441 = vector.shape_cast %get3A_440 : vector<1x16xf32> to vector<16xf32>
      %add3A_442 = arith.addf %add3A_435, %get3A_441 : vector<16xf32>
      %add3A_443 = arith.constant 7 : i32
      %add3A_444 = arith.addi %mul3A_108, %add3A_443 : i32
      %get3A_445 = arith.index_cast %add3A_444 : i32 to index
      %get3A_446 = arith.constant 32 : index
      %get3A_447 = tpu.vector_load %arg6[%get3A_445, %get3A_446] {strides = array<i32>} : memref<640x64xf32, #tpu.memory_space<vmem>>, vector<1x16xf32>,
      %get3A_448 = vector.shape_cast %get3A_447 : vector<1x16xf32> to vector<16xf32>
      %add3A_449 = arith.addf %add3A_442, %get3A_448 : vector<16xf32>
      %add3A_450 = arith.constant 8 : i32
      %add3A_451 = arith.addi %mul3A_108, %add3A_450 : i32
      %get3A_452 = arith.index_cast %add3A_451 : i32 to index
      %get3A_453 = arith.constant 32 : index
      %get3A_454 = tpu.vector_load %arg6[%get3A_452, %get3A_453] {strides = array<i32>} : memref<640x64xf32, #tpu.memory_space<vmem>>, vector<1x16xf32>,
      %get3A_455 = vector.shape_cast %get3A_454 : vector<1x16xf32> to vector<16xf32>
      %add3A_456 = arith.addf %add3A_449, %get3A_455 : vector<16xf32>
      %add3A_457 = arith.constant 9 : i32
      %add3A_458 = arith.addi %mul3A_108, %add3A_457 : i32
      %get3A_459 = arith.index_cast %add3A_458 : i32 to index
      %get3A_460 = arith.constant 32 : index
      %get3A_461 = tpu.vector_load %arg6[%get3A_459, %get3A_460] {strides = array<i32>} : memref<640x64xf32, #tpu.memory_space<vmem>>, vector<1x16xf32>,
      %get3A_462 = vector.shape_cast %get3A_461 : vector<1x16xf32> to vector<16xf32>
      %add3A_463 = arith.addf %add3A_456, %get3A_462 : vector<16xf32>
      %add3A_464 = arith.constant 10 : i32
      %add3A_465 = arith.addi %mul3A_108, %add3A_464 : i32
      %get3A_466 = arith.index_cast %add3A_465 : i32 to index
      %get3A_467 = arith.constant 32 : index
      %get3A_468 = tpu.vector_load %arg6[%get3A_466, %get3A_467] {strides = array<i32>} : memref<640x64xf32, #tpu.memory_space<vmem>>, vector<1x16xf32>,
      %get3A_469 = vector.shape_cast %get3A_468 : vector<1x16xf32> to vector<16xf32>
      %add3A_470 = arith.addf %add3A_463, %get3A_469 : vector<16xf32>
      %add3A_471 = arith.constant 11 : i32
      %add3A_472 = arith.addi %mul3A_108, %add3A_471 : i32
      %get3A_473 = arith.index_cast %add3A_472 : i32 to index
      %get3A_474 = arith.constant 32 : index
      %get3A_475 = tpu.vector_load %arg6[%get3A_473, %get3A_474] {strides = array<i32>} : memref<640x64xf32, #tpu.memory_space<vmem>>, vector<1x16xf32>,
      %get3A_476 = vector.shape_cast %get3A_475 : vector<1x16xf32> to vector<16xf32>
      %add3A_477 = arith.addf %add3A_470, %get3A_476 : vector<16xf32>
      %add3A_478 = arith.constant 12 : i32
      %add3A_479 = arith.addi %mul3A_108, %add3A_478 : i32
      %get3A_480 = arith.index_cast %add3A_479 : i32 to index
      %get3A_481 = arith.constant 32 : index
      %get3A_482 = tpu.vector_load %arg6[%get3A_480, %get3A_481] {strides = array<i32>} : memref<640x64xf32, #tpu.memory_space<vmem>>, vector<1x16xf32>,
      %get3A_483 = vector.shape_cast %get3A_482 : vector<1x16xf32> to vector<16xf32>
      %add3A_484 = arith.addf %add3A_477, %get3A_483 : vector<16xf32>
      %add3A_485 = arith.constant 13 : i32
      %add3A_486 = arith.addi %mul3A_108, %add3A_485 : i32
      %get3A_487 = arith.index_cast %add3A_486 : i32 to index
      %get3A_488 = arith.constant 32 : index
      %get3A_489 = tpu.vector_load %arg6[%get3A_487, %get3A_488] {strides = array<i32>} : memref<640x64xf32, #tpu.memory_space<vmem>>, vector<1x16xf32>,
      %get3A_490 = vector.shape_cast %get3A_489 : vector<1x16xf32> to vector<16xf32>
      %add3A_491 = arith.addf %add3A_484, %get3A_490 : vector<16xf32>
      %add3A_492 = arith.constant 14 : i32
      %add3A_493 = arith.addi %mul3A_108, %add3A_492 : i32
      %get3A_494 = arith.index_cast %add3A_493 : i32 to index
      %get3A_495 = arith.constant 32 : index
      %get3A_496 = tpu.vector_load %arg6[%get3A_494, %get3A_495] {strides = array<i32>} : memref<640x64xf32, #tpu.memory_space<vmem>>, vector<1x16xf32>,
      %get3A_497 = vector.shape_cast %get3A_496 : vector<1x16xf32> to vector<16xf32>
      %add3A_498 = arith.addf %add3A_491, %get3A_497 : vector<16xf32>
      %add3A_499 = arith.constant 15 : i32
      %add3A_500 = arith.addi %mul3A_108, %add3A_499 : i32
      %get3A_501 = arith.index_cast %add3A_500 : i32 to index
      %get3A_502 = arith.constant 32 : index
      %get3A_503 = tpu.vector_load %arg6[%get3A_501, %get3A_502] {strides = array<i32>} : memref<640x64xf32, #tpu.memory_space<vmem>>, vector<1x16xf32>,
      %get3A_504 = vector.shape_cast %get3A_503 : vector<1x16xf32> to vector<16xf32>
      %add3A_505 = arith.addf %add3A_498, %get3A_504 : vector<16xf32>
      %add3A_506 = arith.constant 16 : i32
      %add3A_507 = arith.addi %mul3A_108, %add3A_506 : i32
      %get3A_508 = arith.index_cast %add3A_507 : i32 to index
      %get3A_509 = arith.constant 32 : index
      %get3A_510 = tpu.vector_load %arg6[%get3A_508, %get3A_509] {strides = array<i32>} : memref<640x64xf32, #tpu.memory_space<vmem>>, vector<1x16xf32>,
      %get3A_511 = vector.shape_cast %get3A_510 : vector<1x16xf32> to vector<16xf32>
      %add3A_512 = arith.addf %add3A_505, %get3A_511 : vector<16xf32>
      %add3A_513 = arith.constant 17 : i32
      %add3A_514 = arith.addi %mul3A_108, %add3A_513 : i32
      %get3A_515 = arith.index_cast %add3A_514 : i32 to index
      %get3A_516 = arith.constant 32 : index
      %get3A_517 = tpu.vector_load %arg6[%get3A_515, %get3A_516] {strides = array<i32>} : memref<640x64xf32, #tpu.memory_space<vmem>>, vector<1x16xf32>,
      %get3A_518 = vector.shape_cast %get3A_517 : vector<1x16xf32> to vector<16xf32>
      %add3A_519 = arith.addf %add3A_512, %get3A_518 : vector<16xf32>
      %add3A_520 = arith.constant 18 : i32
      %add3A_521 = arith.addi %mul3A_108, %add3A_520 : i32
      %get3A_522 = arith.index_cast %add3A_521 : i32 to index
      %get3A_523 = arith.constant 32 : index
      %get3A_524 = tpu.vector_load %arg6[%get3A_522, %get3A_523] {strides = array<i32>} : memref<640x64xf32, #tpu.memory_space<vmem>>, vector<1x16xf32>,
      %get3A_525 = vector.shape_cast %get3A_524 : vector<1x16xf32> to vector<16xf32>
      %add3A_526 = arith.addf %add3A_519, %get3A_525 : vector<16xf32>
      %add3A_527 = arith.constant 19 : i32
      %add3A_528 = arith.addi %mul3A_108, %add3A_527 : i32
      %get3A_529 = arith.index_cast %add3A_528 : i32 to index
      %get3A_530 = arith.constant 32 : index
      %get3A_531 = tpu.vector_load %arg6[%get3A_529, %get3A_530] {strides = array<i32>} : memref<640x64xf32, #tpu.memory_space<vmem>>, vector<1x16xf32>,
      %get3A_532 = vector.shape_cast %get3A_531 : vector<1x16xf32> to vector<16xf32>
      %add3A_533 = arith.addf %add3A_526, %get3A_532 : vector<16xf32>
      %mul3A_534 = arith.constant 5.000000e-02 : f32
      %mul3A_535 = vector.broadcast %mul3A_534 : f32 to vector<16xf32>
      %mul3A_536 = arith.mulf %add3A_533, %mul3A_535 : vector<16xf32>
      %swap3A_537 = arith.index_cast %scan3A_106 : i32 to index
      %swap3A_538 = arith.constant 32 : index
      %swap3A_539 = tpu.vector_load %arg7[%swap3A_537, %swap3A_538] {strides = array<i32>} : memref<32x64xf32, #tpu.memory_space<vmem>>, vector<1x16xf32>,
      %swap3A_540 = vector.shape_cast %swap3A_539 : vector<1x16xf32> to vector<16xf32>
      %swap3A_541 = vector.shape_cast %mul3A_536 : vector<16xf32> to vector<1x16xf32>
      tpu.vector_store %arg7[%swap3A_537, %swap3A_538], %swap3A_541 {strides = array<i32>} : memref<32x64xf32, #tpu.memory_space<vmem>>, vector<1x16xf32>,
      %get3A_542 = arith.index_cast %mul3A_108 : i32 to index
      %get3A_543 = arith.constant 48 : index
      %get3A_544 = tpu.vector_load %arg6[%get3A_542, %get3A_543] {strides = array<i32>} : memref<640x64xf32, #tpu.memory_space<vmem>>, vector<1x16xf32>,
      %get3A_545 = vector.shape_cast %get3A_544 : vector<1x16xf32> to vector<16xf32>
      %add3A_546 = arith.constant 1 : i32
      %add3A_547 = arith.addi %mul3A_108, %add3A_546 : i32
      %get3A_548 = arith.index_cast %add3A_547 : i32 to index
      %get3A_549 = arith.constant 48 : index
      %get3A_550 = tpu.vector_load %arg6[%get3A_548, %get3A_549] {strides = array<i32>} : memref<640x64xf32, #tpu.memory_space<vmem>>, vector<1x16xf32>,
      %get3A_551 = vector.shape_cast %get3A_550 : vector<1x16xf32> to vector<16xf32>
      %add3A_552 = arith.addf %get3A_545, %get3A_551 : vector<16xf32>
      %add3A_553 = arith.constant 2 : i32
      %add3A_554 = arith.addi %mul3A_108, %add3A_553 : i32
      %get3A_555 = arith.index_cast %add3A_554 : i32 to index
      %get3A_556 = arith.constant 48 : index
      %get3A_557 = tpu.vector_load %arg6[%get3A_555, %get3A_556] {strides = array<i32>} : memref<640x64xf32, #tpu.memory_space<vmem>>, vector<1x16xf32>,
      %get3A_558 = vector.shape_cast %get3A_557 : vector<1x16xf32> to vector<16xf32>
      %add3A_559 = arith.addf %add3A_552, %get3A_558 : vector<16xf32>
      %add3A_560 = arith.constant 3 : i32
      %add3A_561 = arith.addi %mul3A_108, %add3A_560 : i32
      %get3A_562 = arith.index_cast %add3A_561 : i32 to index
      %get3A_563 = arith.constant 48 : index
      %get3A_564 = tpu.vector_load %arg6[%get3A_562, %get3A_563] {strides = array<i32>} : memref<640x64xf32, #tpu.memory_space<vmem>>, vector<1x16xf32>,
      %get3A_565 = vector.shape_cast %get3A_564 : vector<1x16xf32> to vector<16xf32>
      %add3A_566 = arith.addf %add3A_559, %get3A_565 : vector<16xf32>
      %add3A_567 = arith.constant 4 : i32
      %add3A_568 = arith.addi %mul3A_108, %add3A_567 : i32
      %get3A_569 = arith.index_cast %add3A_568 : i32 to index
      %get3A_570 = arith.constant 48 : index
      %get3A_571 = tpu.vector_load %arg6[%get3A_569, %get3A_570] {strides = array<i32>} : memref<640x64xf32, #tpu.memory_space<vmem>>, vector<1x16xf32>,
      %get3A_572 = vector.shape_cast %get3A_571 : vector<1x16xf32> to vector<16xf32>
      %add3A_573 = arith.addf %add3A_566, %get3A_572 : vector<16xf32>
      %add3A_574 = arith.constant 5 : i32
      %add3A_575 = arith.addi %mul3A_108, %add3A_574 : i32
      %get3A_576 = arith.index_cast %add3A_575 : i32 to index
      %get3A_577 = arith.constant 48 : index
      %get3A_578 = tpu.vector_load %arg6[%get3A_576, %get3A_577] {strides = array<i32>} : memref<640x64xf32, #tpu.memory_space<vmem>>, vector<1x16xf32>,
      %get3A_579 = vector.shape_cast %get3A_578 : vector<1x16xf32> to vector<16xf32>
      %add3A_580 = arith.addf %add3A_573, %get3A_579 : vector<16xf32>
      %add3A_581 = arith.constant 6 : i32
      %add3A_582 = arith.addi %mul3A_108, %add3A_581 : i32
      %get3A_583 = arith.index_cast %add3A_582 : i32 to index
      %get3A_584 = arith.constant 48 : index
      %get3A_585 = tpu.vector_load %arg6[%get3A_583, %get3A_584] {strides = array<i32>} : memref<640x64xf32, #tpu.memory_space<vmem>>, vector<1x16xf32>,
      %get3A_586 = vector.shape_cast %get3A_585 : vector<1x16xf32> to vector<16xf32>
      %add3A_587 = arith.addf %add3A_580, %get3A_586 : vector<16xf32>
      %add3A_588 = arith.constant 7 : i32
      %add3A_589 = arith.addi %mul3A_108, %add3A_588 : i32
      %get3A_590 = arith.index_cast %add3A_589 : i32 to index
      %get3A_591 = arith.constant 48 : index
      %get3A_592 = tpu.vector_load %arg6[%get3A_590, %get3A_591] {strides = array<i32>} : memref<640x64xf32, #tpu.memory_space<vmem>>, vector<1x16xf32>,
      %get3A_593 = vector.shape_cast %get3A_592 : vector<1x16xf32> to vector<16xf32>
      %add3A_594 = arith.addf %add3A_587, %get3A_593 : vector<16xf32>
      %add3A_595 = arith.constant 8 : i32
      %add3A_596 = arith.addi %mul3A_108, %add3A_595 : i32
      %get3A_597 = arith.index_cast %add3A_596 : i32 to index
      %get3A_598 = arith.constant 48 : index
      %get3A_599 = tpu.vector_load %arg6[%get3A_597, %get3A_598] {strides = array<i32>} : memref<640x64xf32, #tpu.memory_space<vmem>>, vector<1x16xf32>,
      %get3A_600 = vector.shape_cast %get3A_599 : vector<1x16xf32> to vector<16xf32>
      %add3A_601 = arith.addf %add3A_594, %get3A_600 : vector<16xf32>
      %add3A_602 = arith.constant 9 : i32
      %add3A_603 = arith.addi %mul3A_108, %add3A_602 : i32
      %get3A_604 = arith.index_cast %add3A_603 : i32 to index
      %get3A_605 = arith.constant 48 : index
      %get3A_606 = tpu.vector_load %arg6[%get3A_604, %get3A_605] {strides = array<i32>} : memref<640x64xf32, #tpu.memory_space<vmem>>, vector<1x16xf32>,
      %get3A_607 = vector.shape_cast %get3A_606 : vector<1x16xf32> to vector<16xf32>
      %add3A_608 = arith.addf %add3A_601, %get3A_607 : vector<16xf32>
      %add3A_609 = arith.constant 10 : i32
      %add3A_610 = arith.addi %mul3A_108, %add3A_609 : i32
      %get3A_611 = arith.index_cast %add3A_610 : i32 to index
      %get3A_612 = arith.constant 48 : index
      %get3A_613 = tpu.vector_load %arg6[%get3A_611, %get3A_612] {strides = array<i32>} : memref<640x64xf32, #tpu.memory_space<vmem>>, vector<1x16xf32>,
      %get3A_614 = vector.shape_cast %get3A_613 : vector<1x16xf32> to vector<16xf32>
      %add3A_615 = arith.addf %add3A_608, %get3A_614 : vector<16xf32>
      %add3A_616 = arith.constant 11 : i32
      %add3A_617 = arith.addi %mul3A_108, %add3A_616 : i32
      %get3A_618 = arith.index_cast %add3A_617 : i32 to index
      %get3A_619 = arith.constant 48 : index
      %get3A_620 = tpu.vector_load %arg6[%get3A_618, %get3A_619] {strides = array<i32>} : memref<640x64xf32, #tpu.memory_space<vmem>>, vector<1x16xf32>,
      %get3A_621 = vector.shape_cast %get3A_620 : vector<1x16xf32> to vector<16xf32>
      %add3A_622 = arith.addf %add3A_615, %get3A_621 : vector<16xf32>
      %add3A_623 = arith.constant 12 : i32
      %add3A_624 = arith.addi %mul3A_108, %add3A_623 : i32
      %get3A_625 = arith.index_cast %add3A_624 : i32 to index
      %get3A_626 = arith.constant 48 : index
      %get3A_627 = tpu.vector_load %arg6[%get3A_625, %get3A_626] {strides = array<i32>} : memref<640x64xf32, #tpu.memory_space<vmem>>, vector<1x16xf32>,
      %get3A_628 = vector.shape_cast %get3A_627 : vector<1x16xf32> to vector<16xf32>
      %add3A_629 = arith.addf %add3A_622, %get3A_628 : vector<16xf32>
      %add3A_630 = arith.constant 13 : i32
      %add3A_631 = arith.addi %mul3A_108, %add3A_630 : i32
      %get3A_632 = arith.index_cast %add3A_631 : i32 to index
      %get3A_633 = arith.constant 48 : index
      %get3A_634 = tpu.vector_load %arg6[%get3A_632, %get3A_633] {strides = array<i32>} : memref<640x64xf32, #tpu.memory_space<vmem>>, vector<1x16xf32>,
      %get3A_635 = vector.shape_cast %get3A_634 : vector<1x16xf32> to vector<16xf32>
      %add3A_636 = arith.addf %add3A_629, %get3A_635 : vector<16xf32>
      %add3A_637 = arith.constant 14 : i32
      %add3A_638 = arith.addi %mul3A_108, %add3A_637 : i32
      %get3A_639 = arith.index_cast %add3A_638 : i32 to index
      %get3A_640 = arith.constant 48 : index
      %get3A_641 = tpu.vector_load %arg6[%get3A_639, %get3A_640] {strides = array<i32>} : memref<640x64xf32, #tpu.memory_space<vmem>>, vector<1x16xf32>,
      %get3A_642 = vector.shape_cast %get3A_641 : vector<1x16xf32> to vector<16xf32>
      %add3A_643 = arith.addf %add3A_636, %get3A_642 : vector<16xf32>
      %add3A_644 = arith.constant 15 : i32
      %add3A_645 = arith.addi %mul3A_108, %add3A_644 : i32
      %get3A_646 = arith.index_cast %add3A_645 : i32 to index
      %get3A_647 = arith.constant 48 : index
      %get3A_648 = tpu.vector_load %arg6[%get3A_646, %get3A_647] {strides = array<i32>} : memref<640x64xf32, #tpu.memory_space<vmem>>, vector<1x16xf32>,
      %get3A_649 = vector.shape_cast %get3A_648 : vector<1x16xf32> to vector<16xf32>
      %add3A_650 = arith.addf %add3A_643, %get3A_649 : vector<16xf32>
      %add3A_651 = arith.constant 16 : i32
      %add3A_652 = arith.addi %mul3A_108, %add3A_651 : i32
      %get3A_653 = arith.index_cast %add3A_652 : i32 to index
      %get3A_654 = arith.constant 48 : index
      %get3A_655 = tpu.vector_load %arg6[%get3A_653, %get3A_654] {strides = array<i32>} : memref<640x64xf32, #tpu.memory_space<vmem>>, vector<1x16xf32>,
      %get3A_656 = vector.shape_cast %get3A_655 : vector<1x16xf32> to vector<16xf32>
      %add3A_657 = arith.addf %add3A_650, %get3A_656 : vector<16xf32>
      %add3A_658 = arith.constant 17 : i32
      %add3A_659 = arith.addi %mul3A_108, %add3A_658 : i32
      %get3A_660 = arith.index_cast %add3A_659 : i32 to index
      %get3A_661 = arith.constant 48 : index
      %get3A_662 = tpu.vector_load %arg6[%get3A_660, %get3A_661] {strides = array<i32>} : memref<640x64xf32, #tpu.memory_space<vmem>>, vector<1x16xf32>,
      %get3A_663 = vector.shape_cast %get3A_662 : vector<1x16xf32> to vector<16xf32>
      %add3A_664 = arith.addf %add3A_657, %get3A_663 : vector<16xf32>
      %add3A_665 = arith.constant 18 : i32
      %add3A_666 = arith.addi %mul3A_108, %add3A_665 : i32
      %get3A_667 = arith.index_cast %add3A_666 : i32 to index
      %get3A_668 = arith.constant 48 : index
      %get3A_669 = tpu.vector_load %arg6[%get3A_667, %get3A_668] {strides = array<i32>} : memref<640x64xf32, #tpu.memory_space<vmem>>, vector<1x16xf32>,
      %get3A_670 = vector.shape_cast %get3A_669 : vector<1x16xf32> to vector<16xf32>
      %add3A_671 = arith.addf %add3A_664, %get3A_670 : vector<16xf32>
      %add3A_672 = arith.constant 19 : i32
      %add3A_673 = arith.addi %mul3A_108, %add3A_672 : i32
      %get3A_674 = arith.index_cast %add3A_673 : i32 to index
      %get3A_675 = arith.constant 48 : index
      %get3A_676 = tpu.vector_load %arg6[%get3A_674, %get3A_675] {strides = array<i32>} : memref<640x64xf32, #tpu.memory_space<vmem>>, vector<1x16xf32>,
      %get3A_677 = vector.shape_cast %get3A_676 : vector<1x16xf32> to vector<16xf32>
      %add3A_678 = arith.addf %add3A_671, %get3A_677 : vector<16xf32>
      %mul3A_679 = arith.constant 5.000000e-02 : f32
      %mul3A_680 = vector.broadcast %mul3A_679 : f32 to vector<16xf32>
      %mul3A_681 = arith.mulf %add3A_678, %mul3A_680 : vector<16xf32>
      %swap3A_682 = arith.index_cast %scan3A_106 : i32 to index
      %swap3A_683 = arith.constant 48 : index
      %swap3A_684 = tpu.vector_load %arg7[%swap3A_682, %swap3A_683] {strides = array<i32>} : memref<32x64xf32, #tpu.memory_space<vmem>>, vector<1x16xf32>,
      %swap3A_685 = vector.shape_cast %swap3A_684 : vector<1x16xf32> to vector<16xf32>
      %swap3A_686 = vector.shape_cast %mul3A_681 : vector<16xf32> to vector<1x16xf32>
      tpu.vector_store %arg7[%swap3A_682, %swap3A_683], %swap3A_686 {strides = array<i32>} : memref<32x64xf32, #tpu.memory_space<vmem>>, vector<1x16xf32>,
    }
    %scan3A_103 = arith.constant 32 : i32
    %mul3A_104 = arith.constant 32 : i32
    %mul3A_105 = arith.muli %add3A, %mul3A_104 : i32
    "tpu.region"() ({
      %run_scoped3A = tpu.sem_alloc : memref<!tpu.dma_semaphore, #tpu.memory_space<semaphore_mem>>
      %dma_start3A_106 = arith.constant 0 : i32
      %dma_start3A_107 = tpu.memref_slice %arg4[%mul3A_105, %dma_start3A_106] : memref<1024x64xf32, #tpu.memory_space<hbm>> -> memref<32x64xf32, #tpu.memory_space<hbm>>
      %dma_start3A_108 = arith.constant 0 : i32
      %dma_start3A_109 = tpu.memref_slice %arg4[%mul3A_105, %dma_start3A_108] : memref<1024x64xf32, #tpu.memory_space<hbm>> -> memref<32x64xf32, #tpu.memory_space<hbm>>
      tpu.enqueue_dma source(%arg7 : memref<32x64xf32, #tpu.memory_space<vmem>>) target(%dma_start3A_109 : memref<32x64xf32, #tpu.memory_space<hbm>>) target_semaphore(%run_scoped3A : memref<!tpu.dma_semaphore, #tpu.memory_space<semaphore_mem>>)
      %dma_wait3A_110 = arith.constant 0 : i32
      %dma_wait3A_111 = tpu.memref_slice %arg4[%mul3A_105, %dma_wait3A_110] : memref<1024x64xf32, #tpu.memory_space<hbm>> -> memref<32x64xf32, #tpu.memory_space<hbm>>
      %dma_wait3A_112 = arith.constant 0 : i32
      %dma_wait3A_113 = tpu.memref_slice %arg4[%mul3A_105, %dma_wait3A_112] : memref<1024x64xf32, #tpu.memory_space<hbm>> -> memref<32x64xf32, #tpu.memory_space<hbm>>
      tpu.wait_dma2 semaphore(%run_scoped3A : memref<!tpu.dma_semaphore, #tpu.memory_space<semaphore_mem>>) src(%arg7 : memref<32x64xf32, #tpu.memory_space<vmem>>) dst(%dma_wait3A_113 : memref<32x64xf32, #tpu.memory_space<hbm>>)
      tpu.yield
    }) : () -> ()
    return
  }
}

module attributes {stable_mosaic.version = 14 : i64} {
  func.func @_p1_body(%arg0: i32, %arg1: i32, %arg2: memref<1024x64xf32, #tpu.memory_space<vmem>>, %arg3: memref<64x16384xf32, #tpu.memory_space<vmem>>, %arg4: memref<1x16384xf32, #tpu.memory_space<vmem>>, %arg5: memref<256x1xf32, #tpu.memory_space<vmem>>, %arg6: memref<4x256x1xf32, #tpu.memory_space<vmem>>) attributes {dimension_semantics = [#tpu.dimension_semantics<arbitrary>, #tpu.dimension_semantics<arbitrary>], iteration_bounds = array<i64: 7, 4>, scalar_prefetch = 0 : i64, scratch_operands = 1 : i64, tpu.core_type = #tpu.core_type<tc>, window_params = [{pipeline_mode = #tpu.pipeline_mode<synchronous>, transform_indices = @transform_0, window_bounds = array<i64: 1024, 64>}, {transform_indices = @transform_1, window_bounds = array<i64: 64, 16384>}, {transform_indices = @transform_2, window_bounds = array<i64: 1, 16384>}, {transform_indices = @transform_3, window_bounds = array<i64: 256, 1>}]} {
    %eq3A = arith.constant 0 : i32
    %eq3A_0 = arith.cmpi eq, %arg0, %eq3A : i32
    %convert_element_type3A = arith.extui %eq3A_0 : i1 to i32
    %cond3A = arith.constant 0 : i32
    %cond3A_1 = arith.cmpi ne, %convert_element_type3A, %cond3A : i32
    scf.if %cond3A_1 {
      %broadcast_in_dim3A_42 = arith.constant 0.000000e+00 : f32
      %broadcast_in_dim3A_43 = vector.broadcast %broadcast_in_dim3A_42 : f32 to vector<256x1xf32>
      %swap3A_44 = arith.index_cast %arg1 : i32 to index
      %swap3A_45 = arith.constant 0 : index
      %swap3A_46 = arith.constant 0 : index
      %swap3A_47 = vector.load %arg6[%swap3A_44, %swap3A_45, %swap3A_46] : memref<4x256x1xf32, #tpu.memory_space<vmem>>, vector<1x256x1xf32>
      %swap3A_48 = vector.shape_cast %swap3A_47 : vector<1x256x1xf32> to vector<256x1xf32>
      %swap3A_49 = vector.shape_cast %broadcast_in_dim3A_43 : vector<256x1xf32> to vector<1x256x1xf32>
      tpu.vector_store %arg6[%swap3A_44, %swap3A_45, %swap3A_46], %swap3A_49 {strides = array<i32>} : memref<4x256x1xf32, #tpu.memory_space<vmem>>, vector<1x256x1xf32>,
    } else {
    }
    %mul3A = arith.constant 256 : i32
    %mul3A_2 = arith.muli %arg1, %mul3A : i32
    %multiple_of3A = tpu.assume_multiple %mul3A_2, 256 : i32
    %get3A = arith.index_cast %multiple_of3A : i32 to index
    %get3A_3 = arith.constant 0 : index
    %get3A_4 = vector.load %arg2[%get3A, %get3A_3] : memref<1024x64xf32, #tpu.memory_space<vmem>>, vector<256x64xf32>
    %convert_element_type3A_5 = arith.truncf %get3A_4 : vector<256x64xf32> to vector<256x64xbf16>
    %get3A_6 = arith.constant 0 : index
    %get3A_7 = arith.constant 0 : index
    %get3A_8 = vector.load %arg3[%get3A_6, %get3A_7] : memref<64x16384xf32, #tpu.memory_space<vmem>>, vector<64x16384xf32>
    %convert_element_type3A_9 = arith.truncf %get3A_8 : vector<64x16384xf32> to vector<64x16384xbf16>
    %dot_general3A = arith.constant dense<0.000000e+00> : vector<256x16384xf32>
    %dot_general3A_10 = tpu.matmul %convert_element_type3A_5, %convert_element_type3A_9, %dot_general3A {dimension_numbers = #tpu.dot_dimension_numbers<[1], [0], [0], [1], [0, 0, 1, 1], [], []>, transpose_lhs_hint = false} : vector<256x64xbf16>, vector<64x16384xbf16>, vector<256x16384xf32> -> vector<256x16384xf32>
    %get3A_11 = arith.constant 0 : index
    %get3A_12 = arith.constant 0 : index
    %get3A_13 = vector.load %arg4[%get3A_11, %get3A_12] : memref<1x16384xf32, #tpu.memory_space<vmem>>, vector<1x16384xf32>
    %add3A = vector.broadcast %get3A_13 : vector<1x16384xf32> to vector<256x16384xf32>
    %add3A_14 = arith.addf %dot_general3A_10, %add3A : vector<256x16384xf32>
    %mul3A_15 = arith.constant 16384 : i32
    %mul3A_16 = arith.muli %arg0, %mul3A_15 : i32
    %iota3A = tpu.iota {dimensions = array<i32: 1>} : vector<256x16384xi32>
    %add3A_17 = vector.broadcast %mul3A_16 : i32 to vector<256x16384xi32>
    %add3A_18 = arith.addi %add3A_17, %iota3A : vector<256x16384xi32>
    %lt3A = arith.constant 100000 : i32
    %lt3A_19 = vector.broadcast %lt3A : i32 to vector<256x16384xi32>
    %lt3A_20 = arith.cmpi slt, %add3A_18, %lt3A_19 : vector<256x16384xi32>
    %exp3A = math.exp %add3A_14 : vector<256x16384xf32>
    %jit3A = arith.constant 0.000000e+00 : f32
    %broadcast_in_dim3A = vector.broadcast %jit3A : f32 to vector<256x16384xf32>
    %select_n3A = arith.select %lt3A_20, %exp3A, %broadcast_in_dim3A : vector<256x16384xi1>, vector<256x16384xf32>
    %broadcast_in_dim3A_21 = arith.constant 1.000000e+00 : bf16
    %broadcast_in_dim3A_22 = vector.broadcast %broadcast_in_dim3A_21 : bf16 to vector<16384x1xbf16>
    %get3A_23 = arith.index_cast %arg1 : i32 to index
    %get3A_24 = arith.constant 0 : index
    %get3A_25 = arith.constant 0 : index
    %get3A_26 = vector.load %arg6[%get3A_23, %get3A_24, %get3A_25] : memref<4x256x1xf32, #tpu.memory_space<vmem>>, vector<1x256x1xf32>
    %get3A_27 = vector.shape_cast %get3A_26 : vector<1x256x1xf32> to vector<256x1xf32>
    %convert_element_type3A_28 = arith.truncf %select_n3A : vector<256x16384xf32> to vector<256x16384xbf16>
    %dot_general3A_29 = arith.constant dense<0.000000e+00> : vector<256x1xf32>
    %dot_general3A_30 = tpu.matmul %convert_element_type3A_28, %broadcast_in_dim3A_22, %dot_general3A_29 {dimension_numbers = #tpu.dot_dimension_numbers<[1], [0], [0], [1], [0, 0, 1, 1], [], []>, transpose_lhs_hint = false} : vector<256x16384xbf16>, vector<16384x1xbf16>, vector<256x1xf32> -> vector<256x1xf32>
    %add3A_31 = arith.addf %get3A_27, %dot_general3A_30 : vector<256x1xf32>
    %swap3A = arith.index_cast %arg1 : i32 to index
    %swap3A_32 = arith.constant 0 : index
    %swap3A_33 = arith.constant 0 : index
    %swap3A_34 = vector.load %arg6[%swap3A, %swap3A_32, %swap3A_33] : memref<4x256x1xf32, #tpu.memory_space<vmem>>, vector<1x256x1xf32>
    %swap3A_35 = vector.shape_cast %swap3A_34 : vector<1x256x1xf32> to vector<256x1xf32>
    %swap3A_36 = vector.shape_cast %add3A_31 : vector<256x1xf32> to vector<1x256x1xf32>
    tpu.vector_store %arg6[%swap3A, %swap3A_32, %swap3A_33], %swap3A_36 {strides = array<i32>} : memref<4x256x1xf32, #tpu.memory_space<vmem>>, vector<1x256x1xf32>,
    %eq3A_37 = arith.constant 6 : i32
    %eq3A_38 = arith.cmpi eq, %arg0, %eq3A_37 : i32
    %convert_element_type3A_39 = arith.extui %eq3A_38 : i1 to i32
    %cond3A_40 = arith.constant 0 : i32
    %cond3A_41 = arith.cmpi ne, %convert_element_type3A_39, %cond3A_40 : i32
    scf.if %cond3A_41 {
      %get3A_42 = arith.index_cast %arg1 : i32 to index
      %get3A_43 = arith.constant 0 : index
      %get3A_44 = arith.constant 0 : index
      %get3A_45 = vector.load %arg6[%get3A_42, %get3A_43, %get3A_44] : memref<4x256x1xf32, #tpu.memory_space<vmem>>, vector<1x256x1xf32>
      %get3A_46 = vector.shape_cast %get3A_45 : vector<1x256x1xf32> to vector<256x1xf32>
      %swap3A_47 = arith.constant 0 : index
      %swap3A_48 = arith.constant 0 : index
      %swap3A_49 = vector.load %arg5[%swap3A_47, %swap3A_48] : memref<256x1xf32, #tpu.memory_space<vmem>>, vector<256x1xf32>
      tpu.vector_store %arg5[%swap3A_47, %swap3A_48], %get3A_46 {strides = array<i32>} : memref<256x1xf32, #tpu.memory_space<vmem>>, vector<256x1xf32>,
    } else {
    }
    return
  }
  func.func @transform_0(%arg0: i32, %arg1: i32) -> (i32, i32) {
    %c0_i32 = arith.constant 0 : i32
    %c0_i32_0 = arith.constant 0 : i32
    %c0_i32_1 = arith.constant 0 : i32
    return %c0_i32, %c0_i32_0 : i32, i32
  }
  func.func @transform_1(%arg0: i32, %arg1: i32) -> (i32, i32) {
    %c0_i32 = arith.constant 0 : i32
    %c0_i32_0 = arith.constant 0 : i32
    return %c0_i32, %arg0 : i32, i32
  }
  func.func @transform_2(%arg0: i32, %arg1: i32) -> (i32, i32) {
    %c0_i32 = arith.constant 0 : i32
    %c0_i32_0 = arith.constant 0 : i32
    return %c0_i32, %arg0 : i32, i32
  }
  func.func @transform_3(%arg0: i32, %arg1: i32) -> (i32, i32) {
    %c0_i32 = arith.constant 0 : i32
    %c0_i32_0 = arith.constant 0 : i32
    return %arg1, %c0_i32 : i32, i32
  }
}

module attributes {stable_mosaic.version = 14 : i64} {
  func.func @_p2_body(%arg0: i32, %arg1: i32, %arg2: memref<1024x64xf32, #tpu.memory_space<vmem>>, %arg3: memref<64x16384xf32, #tpu.memory_space<vmem>>, %arg4: memref<1x16384xf32, #tpu.memory_space<vmem>>, %arg5: memref<1024x1xf32, #tpu.memory_space<vmem>>, %arg6: memref<256x16384xf32, #tpu.memory_space<vmem>>) attributes {dimension_semantics = [#tpu.dimension_semantics<arbitrary>, #tpu.dimension_semantics<arbitrary>], iteration_bounds = array<i64: 7, 4>, scalar_prefetch = 0 : i64, scratch_operands = 0 : i64, tpu.core_type = #tpu.core_type<tc>, window_params = [{pipeline_mode = #tpu.pipeline_mode<synchronous>, transform_indices = @transform_0, window_bounds = array<i64: 1024, 64>}, {transform_indices = @transform_1, window_bounds = array<i64: 64, 16384>}, {transform_indices = @transform_2, window_bounds = array<i64: 1, 16384>}, {pipeline_mode = #tpu.pipeline_mode<synchronous>, transform_indices = @transform_3, window_bounds = array<i64: 1024, 1>}, {transform_indices = @transform_4, window_bounds = array<i64: 256, 16384>}]} {
    %mul3A = arith.constant 256 : i32
    %mul3A_0 = arith.muli %arg1, %mul3A : i32
    %multiple_of3A = tpu.assume_multiple %mul3A_0, 256 : i32
    %get3A = arith.index_cast %multiple_of3A : i32 to index
    %get3A_1 = arith.constant 0 : index
    %get3A_2 = vector.load %arg2[%get3A, %get3A_1] : memref<1024x64xf32, #tpu.memory_space<vmem>>, vector<256x64xf32>
    %mul3A_3 = arith.constant 256 : i32
    %mul3A_4 = arith.muli %arg1, %mul3A_3 : i32
    %multiple_of3A_5 = tpu.assume_multiple %mul3A_4, 256 : i32
    %get3A_6 = arith.index_cast %multiple_of3A_5 : i32 to index
    %get3A_7 = arith.constant 0 : index
    %get3A_8 = vector.load %arg5[%get3A_6, %get3A_7] : memref<1024x1xf32, #tpu.memory_space<vmem>>, vector<256x1xf32>
    %get3A_9 = arith.constant 0 : index
    %get3A_10 = arith.constant 0 : index
    %get3A_11 = vector.load %arg3[%get3A_9, %get3A_10] : memref<64x16384xf32, #tpu.memory_space<vmem>>, vector<64x16384xf32>
    %dot_general3A = arith.constant dense<0.000000e+00> : vector<256x16384xf32>
    %dot_general3A_12 = tpu.matmul %get3A_2, %get3A_11, %dot_general3A {dimension_numbers = #tpu.dot_dimension_numbers<[1], [0], [0], [1], [0, 0, 1, 1], [], []>, transpose_lhs_hint = false} : vector<256x64xf32>, vector<64x16384xf32>, vector<256x16384xf32> -> vector<256x16384xf32>
    %get3A_13 = arith.constant 0 : index
    %get3A_14 = arith.constant 0 : index
    %get3A_15 = vector.load %arg4[%get3A_13, %get3A_14] : memref<1x16384xf32, #tpu.memory_space<vmem>>, vector<1x16384xf32>
    %add3A = vector.broadcast %get3A_15 : vector<1x16384xf32> to vector<256x16384xf32>
    %add3A_16 = arith.addf %dot_general3A_12, %add3A : vector<256x16384xf32>
    %exp3A = math.exp %add3A_16 : vector<256x16384xf32>
    %div3A = arith.constant 1.000000e+00 : f32
    %div3A_17 = vector.broadcast %div3A : f32 to vector<256x1xf32>
    %div3A_18 = arith.divf %div3A_17, %get3A_8 : vector<256x1xf32>
    %mul3A_19 = vector.broadcast %div3A_18 : vector<256x1xf32> to vector<256x16384xf32>
    %mul3A_20 = arith.mulf %exp3A, %mul3A_19 : vector<256x16384xf32>
    %swap3A = arith.constant 0 : index
    %swap3A_21 = arith.constant 0 : index
    %swap3A_22 = vector.load %arg6[%swap3A, %swap3A_21] : memref<256x16384xf32, #tpu.memory_space<vmem>>, vector<256x16384xf32>
    tpu.vector_store %arg6[%swap3A, %swap3A_21], %mul3A_20 {strides = array<i32>} : memref<256x16384xf32, #tpu.memory_space<vmem>>, vector<256x16384xf32>,
    return
  }
  func.func @transform_0(%arg0: i32, %arg1: i32) -> (i32, i32) {
    %c0_i32 = arith.constant 0 : i32
    %c0_i32_0 = arith.constant 0 : i32
    %c0_i32_1 = arith.constant 0 : i32
    return %c0_i32, %c0_i32_0 : i32, i32
  }
  func.func @transform_1(%arg0: i32, %arg1: i32) -> (i32, i32) {
    %c0_i32 = arith.constant 0 : i32
    %c0_i32_0 = arith.constant 0 : i32
    return %c0_i32, %arg0 : i32, i32
  }
  func.func @transform_2(%arg0: i32, %arg1: i32) -> (i32, i32) {
    %c0_i32 = arith.constant 0 : i32
    %c0_i32_0 = arith.constant 0 : i32
    return %c0_i32, %arg0 : i32, i32
  }
  func.func @transform_3(%arg0: i32, %arg1: i32) -> (i32, i32) {
    %c0_i32 = arith.constant 0 : i32
    %c0_i32_0 = arith.constant 0 : i32
    %c0_i32_1 = arith.constant 0 : i32
    return %c0_i32, %c0_i32_0 : i32, i32
  }
  func.func @transform_4(%arg0: i32, %arg1: i32) -> (i32, i32) {
    %c0_i32 = arith.constant 0 : i32
    return %arg1, %arg0 : i32, i32
  }
}

</mosaic_0001>

<sc_bundles>
// kernel: kernel.5.cloned.1.call-start
scs
__scs_entry_jumppad:
0x0: {  	(pc) =	sbr.rel $0x88, $3  }
0x1: {  	(tag) =	ssettag $0x0;
	lr =	simm.s32 $0x1  }
0x2: {  	[smem:$0x3F9D] =	sst lr;
	_ =	strace $0xD0000000  }
0x3: {  	_ = 	snop  }
0x4: {  	_ = 	snop  }
0x5: {  	_ = 	snop  }
0x6: {  	_ = 	snop  }
0x7: {  	_ = 	snop  }
__scs_overlays_trampoline_lowered:
0x8: {  	[smem:$0x3FAC] =	sst s0  }
0x9: {  	[smem:$0x3FAD] =	sst s1  }
0xa: {  	[smem:$0x3FAE] =	sst s2  }
0xb: {  	[smem:$0x3FAF] =	sst s3  }
0xc: {  	[smem:$0x3FB0] =	sst s4  }
0xd: {  	[smem:$0x3FB1] =	sst s5  }
0xe: {  	[smem:$0x3FB2] =	sst s6  }
0xf: {  	[smem:$0x3FB3] =	sst s7  }
0x10: {  	[smem:$0x3FB4] =	sst s8  }
0x11: {  	[smem:$0x3FB5] =	sst s9;
	s0 =	simm.s32 @!p0 $0x0  }
0x12: {  	s1 =	sld [smem:$0x3F9B];
	s0 =	simm.s32 @p0 $0x1  }
0x13: {  	[smem:$0x3FB6] =	sst s0;
	s0 =	simm.s32 @!p1 $0x0  }
0x14: {  	s2 =	sld [smem:$0x3F9A];
	s0 =	simm.s32 @p1 $0x1  }
0x15: {  	[smem:$0x3FB7] =	sst s0;
	s0 =	simm.s32 @!p2 $0x0  }
0x16: {  	s3 =	sld [smem:$0x3FDB];
	s0 =	simm.s32 @p2 $0x1  }
0x17: {  	s4 =	simm.s32 $0x1BF5;
	[smem:$0x3FB9] =	sst s0  }
0x18: {  	s0 =	sld [smem:$0x3F9C];
	_ =	swait.ge [sflag:s4], $0x0  }
0x19: {  	s7 =	sld [smem:$0x3F9D]  }
0x1a: {  	s8 =	sadd.s32 $0xFFFFE003, lr  }
0x1b: {  	s9 =	sadd.s32 $0xFFFFFEF7, lr;
	s5 =	simm.s32 $0xFFFFFFFF;
	p2 =	slt.u32 s8, $0xFFFFF086  }
0x1c: {  	p1 =	slt.u32 s9, $0xF7A;
	s5 =	simm.s32 @!p2 $0x0  }
0x1d: {  	s5 =	simm.s32 @p1 $0x1;
	p0 =	seq.s32 s7, s2  }
0x1e: {  	s7 =	smul.u32 @!p0 $0xF7A, s2;
	p2 =	seq.s32 @!p0 s5, $0x0  }
0x1f: {  	s9 =	smul.u32 $0xF7A, s1;
	s8 =	simm.s32 @!p0 $0x1BF5;
	p2 =	por !p2, p0  }
0x20: {  	[sflag:s8] =	ssyncset.s32 @!p0 $0xFFFFF086;
	s6 =	sadd.s32 @!p0 s3, s7;
	s7 =	simm.s32 @!p0 $0x108  }
0x21: {  	s3 =	sadd.s32 s3, s9;
	s6 =	sadd.s32 @!p0 $0x88, s6;
	s7 =	simm.s32 @p2 $0x1082  }
0x22: {  	[simem:s7], [sflag:s8] =	dma.local @!p0 [hbm:s6], $0xF7A  }
0x23: {  	s9 =	sor.u32 $0xD0000000, s2;
	s6 =	simm.s32 $0x108;
	_ =	swait.ge @!p0 [sflag:s8], $0x0  }
0x24: {  	s3 =	sadd.s32 $0x88, s3;
	s6 =	simm.s32 @!p1 $0x1082;
	[sflag:s4] =	ssyncset.s32 $0xFFFFF086  }
0x25: {  	[simem:s6], [sflag:s4] =	dma.local [hbm:s3], $0xF7A  }
0x26: {  	[smem:$0x3F9D] =	sst s1;
	(tag) =	ssettag s2;
	_ =	strace s9  }
0x27: {  	s1 =	sld [smem:$0x3FAD]  }
0x28: {  	s2 =	sld [smem:$0x3FAE]  }
0x29: {  	s4 =	sld [smem:$0x3FB0]  }
0x2a: {  	p0 =	seq.s32 s5, $0x0;
	s5 =	sld [smem:$0x3FB1]  }
0x2b: {  	s6 =	sld [smem:$0x3FB2]  }
0x2c: {  	s7 =	sld [smem:$0x3FB3]  }
0x2d: {  	s3 =	simm.s32 $0x108;
	s8 =	sld [smem:$0x3FB4]  }
0x2e: {  	s3 =	simm.s32 @!p0 $0x1082;
	s9 =	sld [smem:$0x3FB5]  }
0x2f: {  	lr =	sadd.s32 s0, s3;
	s0 =	sld [smem:$0x3FAC]  }
0x30: {  	s3 =	sld [smem:$0x3FAF]  }
0x31: {  	[smem:$0x3FB8] =	sst s10  }
0x32: {  	s10 =	sld [smem:$0x3FB6];
	_ =	sdelay $0x3  }
0x33: {  	p0 =	seq.s32 s10, $0x1;
	s10 =	sld [smem:$0x3FB8];
	_ =	sdelay $0x3  }
0x34: {  	[smem:$0x3FB8] =	sst s10  }
0x35: {  	s10 =	sld [smem:$0x3FB7];
	_ =	sdelay $0x3  }
0x36: {  	p1 =	seq.s32 s10, $0x1;
	s10 =	sld [smem:$0x3FB8];
	_ =	sdelay $0x3  }
0x37: {  	[smem:$0x3FB8] =	sst s10  }
0x38: {  	s10 =	sld [smem:$0x3FB9]  }
0x39: {  	_ = 	snop;
	(pc) =	sbr.ind lr, $3  }
0x3a: {  	_ = 	snop  }
0x3b: {  	_ = 	snop  }
0x3c: {  	p2 =	seq.s32 s10, $0x1;
	s10 =	sld [smem:$0x3FB8]  }
0x3d: {  	_ =	shalt  }
0x3e: {  	_ =	shalt  }
0x3f: {  	_ =	shalt  }
0x40: {  	_ =	shalt  }
0x41: {  	_ =	shalt  }
0x42: {  	_ =	shalt  }
0x43: {  	_ =	shalt  }
0x44: {  	_ =	shalt  }
0x45: {  	_ =	shalt  }
0x46: {  	_ =	shalt  }
0x47: {  	_ =	shalt  }
0x48: {  	_ =	shalt  }
0x49: {  	_ =	shalt  }
0x4a: {  	_ =	shalt  }
0x4b: {  	_ =	shalt  }
0x4c: {  	_ =	shalt  }
0x4d: {  	_ =	shalt  }
0x4e: {  	_ =	shalt  }
0x4f: {  	_ =	shalt  }
0x50: {  	_ =	shalt  }
0x51: {  	_ =	shalt  }
0x52: {  	_ =	shalt  }
0x53: {  	_ =	shalt  }
0x54: {  	_ =	shalt  }
0x55: {  	_ =	shalt  }
0x56: {  	_ =	shalt  }
0x57: {  	_ =	shalt  }
0x58: {  	_ =	shalt  }
0x59: {  	_ =	shalt  }
0x5a: {  	_ =	shalt  }
0x5b: {  	_ =	shalt  }
0x5c: {  	_ =	shalt  }
0x5d: {  	_ =	shalt  }
0x5e: {  	_ =	shalt  }
0x5f: {  	_ =	shalt  }
0x60: {  	_ =	shalt  }
0x61: {  	_ =	shalt  }
0x62: {  	_ =	shalt  }
0x63: {  	_ =	shalt  }
0x64: {  	_ =	shalt  }
0x65: {  	_ =	shalt  }
0x66: {  	_ =	shalt  }
0x67: {  	_ =	shalt  }
0x68: {  	_ =	shalt  }
0x69: {  	_ =	shalt  }
0x6a: {  	_ =	shalt  }
0x6b: {  	_ =	shalt  }
0x6c: {  	_ =	shalt  }
0x6d: {  	_ =	shalt  }
0x6e: {  	_ =	shalt  }
0x6f: {  	_ =	shalt  }
0x70: {  	_ =	shalt  }
0x71: {  	_ =	shalt  }
0x72: {  	_ =	shalt  }
0x73: {  	_ =	shalt  }
0x74: {  	_ =	shalt  }
0x75: {  	_ =	shalt  }
0x76: {  	_ =	shalt  }
0x77: {  	_ =	shalt  }
0x78: {  	_ =	shalt  }
0x79: {  	_ =	shalt  }
0x7a: {  	_ =	shalt  }
0x7b: {  	_ =	shalt  }
0x7c: {  	_ =	shalt  }
0x7d: {  	_ =	shalt  }
0x7e: {  	_ =	shalt  }
0x7f: {  	_ =	shalt  }
0x80: {  	_ =	shalt  }
0x81: {  	_ =	shalt  }
0x82: {  	_ =	shalt  }
0x83: {  	_ =	shalt  }
0x84: {  	_ =	shalt  }
0x85: {  	_ =	shalt  }
0x86: {  	_ =	shalt  }
0x87: {  	_ =	shalt  }
.Lfunc_end0:
.L_simem_size_0:
called_computation_lowered:
.L_overlay_start_0:
0x88: {  	s2 =	sld [smem:$0x3FD9]  }
0x89: {  	s3 =	sld [smem:$0x3FFE];
	_ =	sdelay $0x1  }
0x8a: {  	s1 =	srdreg.scid  }
0x8b: {  	s0 =	sand.u32 $0x1, s1  }
0x8c: {  	s16 =	sshll.u32 s0, $0xA;
	s2 =	sadd.s32 s3, s2  }
0x8d: {  	s2 =	sadd.s32 s2, s16  }
0x8e: {  	[smem:$0x3FC4] =	sst s2  }
0x8f: {  	_ = 	snop  }
0x90: {  	(tm) =	ssettm $0x1  }
0x91: {  	s17 =	sld [smem:$0x3FFB];
	_ =	sdelay $0x3  }
0x92: {  	_ =	strace s17  }
0x93: {  	s2 =	sld [smem:$0x3FFC];
	_ =	sdelay $0x3  }
0x94: {  	_ =	strace s2  }
0x95: {  	s2 =	sld [smem:$0x3FFD];
	_ =	sdelay $0x3  }
0x96: {  	_ =	strace s2  }
0x97: {  	_ =	strace $0x8FFFFFFF  }
0x98: {  	s18 =	sld [smem:$0x3FDB];
	_ =	sdelay $0x1  }
0x99: {  	s19 =	simm.s32 $_scs_section_size  }
0x9a: {  	s4 =	simm.s32 $_size__tile_overlayer_lowered;
	s5 =	simm.s32 $_tile_overlayer_lowered  }
0x9b: {  	s22 =	simm.s32 $0x1BFF;
	s21 =	sshll.u32 s5, $0x1;
	s2 =	sadd.s32 s19, s18  }
0x9c: {  	s6 =	simm.s32 $0x0;
	s20 =	sshll.u32 s4, $0x1;
	s4 =	sadd.s32 s21, s2  }
0x9d: {  	[timem:s6], [sflag:s22] =	dma.local [hbm:s4], s20  }
0x9e: {  	_ =	swait.ge [sflag:s22], s20  }
0x9f: {  	s3 =	ssub.s32 $0x0, s20;
	[sflag:s22] =	ssyncset.done $0x0  }
0xa0: {  	[sflag:s22] =	ssyncadd.s32 s3;
	_ =	sdelay $0x1  }
0xa1: {  	s23 =	simm.s32 $0x1B8B  }
0xa2: {  	_ =	swait.ge [sflag:s23], $0x1  }
0xa3: {  	[sflag:s23] =	ssyncset.done $0x0  }
0xa4: {  	s25 =	simm.s32 $0x1B8E;
	s24 =	sld [smem:$0x3FFE];
	[sflag:s23] =	ssyncadd.s32 $0xFFFFFFFF  }
0xa5: {  	s26 =	simm.s32 $execute0_lowered;
	[smem:$0x3FD2] =	sst s25  }
0xa6: {  	s4 =	sshll.u32 s26, $0x1;
	_ =	strace $0x80000046;
	[dreg:$0x1] =	wrdreg $0xFFFFFFFF  }
0xa7: {  	s28 =	simm.s32 $_size_execute0_lowered;
	s2 =	sadd.s32 s2, s4;
	[dreg:$0x0] =	wrdreg $0x0  }
0xa8: {  	s4 =	sshll.u32 s28, $0x1;
	[dreg:$0x2] =	wrdreg s2  }
0xa9: {  	[dreg:$0x3] =	wrdreg s4  }
0xaa: {  	[dreg:$0x4] =	wrdreg $0xC0  }
0xab: {  	_ =	task [dreg:s6], $0x5FFFF  }
0xac: {  	[dreg:$0x1] =	wrdreg $0xFFFFFFFF  }
0xad: {  	[dreg:$0x0] =	wrdreg $0x60  }
0xae: {  	[dreg:$0x2] =	wrdreg s24  }
0xaf: {  	[dreg:$0x3] =	wrdreg $0x9  }
0xb0: {  	_ =	task.clear_ibuf [dreg:s6], $0x4FFFF;
	_ =	strace $0x90000046  }
0xb1: {  	s29 =	simm.s32 $0x9;
	_ =	strace $0x80000048  }
0xb2: {  	_ =	swait.ge [sflag:s29], $0x1  }
0xb3: {  	[sflag:s29] =	ssyncadd.s32 $0xFFFFFFFF  }
0xb4: {  	_ =	strace $0x90000048  }
0xb5: {  	_ =	sfence  }
0xb6: {  	s30 =	sld [smem:$0x0];
	_ =	sdelay $0x2  }
0xb7: {  	s31 =	sshll.u32 s1, $0xD;
	s1 =	sshrl.u32 s1, $0x2  }
0xb8: {  	s3 =	sand.u32 $0x4000, s31;
	s1 =	sadd.s32 s1, s30  }
0xb9: {  	s0 =	sor.u32 s3, s0;
	s1 =	sshll.u32 s1, $0x11  }
0xba: {  	s0 =	sor.u32 s1, s0  }
0xbb: {  	s0 =	sadd.s32 $0x8F2B, s0  }
0xbc: {  	[sflag:s0] =	ssyncadd.remote.s32 $0x1  }
0xbd: {  	_ =	sfence.sel $0xFFFF  }
0xbe: {  	[dreg:$0x0] =	wrdreg $0xFFFFFFFF;
	(pc) =	sbr.abs _section_cstart, $3  }
0xbf: {  	[dreg:$0x1] =	wrdreg $0xFFFFFFFF  }
0xc0: {  	_ =	task.clear_ibuf [dreg:s6], $0x2FFFF;
	_ =	strace $0x9FFFFFFF  }
0xc1: {  	(tm) =	ssettm $0x7FFFFFFF  }
tec
execute0_lowered:
.L_overlay_start_1:
0x0: {  	(tag) =	ssettag $0x1  }
0x1: {  	s1 =	srdreg.scid  }
0x2: {  	s0 =	stileid.u32;
	s4 =	rddreg [dreg:$0x0];
	s2 =	simm.s32 $0x0  }
0x3: {  	s9 =	simm.s32 $0x280;
	s10 =	simm.s32 $0x2280;
	s11 =	simm.s32 $0x100  }
0x4: {  	s12 =	simm.s32 $0x4280;
	s13 =	simm.s32 $0x180;
	s14 =	simm.s32 $0x6280  }
0x5: {  	s15 =	simm.s32 $0x200;
	s16 =	simm.s32 $0x8280;
	s17 =	simm.s32 $0x1  }
0x6: {  	s18 =	simm.s32 $0xA280;
	s5 =	sand.u32 $0x1, s1;
	s1 =	rddreg [dreg:$0x1]  }
0x7: {  	s19 =	simm.s32 $0x0;
	s3 =	sshll.u32 s0, $0x1;
	[smem:$0x7FF] =	sst s2  }
0x8: {  	s6 =	sor.u32 s5, s3;
	_ =	strace $0x80000047;
	s5 =	ssub.s32 $0x2, s5  }
0x9: {  	s7 =	smul.u32 $0x50, s6;
	s6 =	sshll.u32 s6, $0x8;
	s8 =	sshrl.u32 s5, $0x1  }
0xa: {  	s3 =	sadd.s32 $0x1000, s4;
	s6 =	sadd.s32 s6, s4;
	s8 =	ssub.s32 s5, s8  }
0xb: {  	s7 =	sadd.s32 s7, s4;
	s5 =	sadd.s32 $0xC4600, s6;
	s6 =	smax.u32 s8, $0x1  }
0xc: {  	s8 =	simm.s32 $0x80;
	s4 =	sadd.s32 $0x600, s7;
	s7 =	simm.s32 $0x2  }
.LBB2_1:
0xd: {  	[tilespmem:s2], [sflag:$0x2] =	stream.linear.gather [hbm4b:s4+s2], $0x280, $0x38;
	[tilespmem:$0xAA80] =	vst v63  }
0xe: {  	_ =	swait.ge [sflag:s7], $0x280  }
0xf: {  	[sflag:s7] =	ssyncset.done $0x0  }
0x10: {  	[sflag:s7] =	ssyncadd.s32 $0xFFFFFD80  }
0x11: {  	[tilespmem:s9], [sflag:$0x1] =	stream.indirect.gather [hbm4b:s3+s8], $0x40, s2, s8, $0xb8;
	[tilespmem:$0xAA80] =	vst v63  }
0x12: {  	_ = 	snop  }
0x13: {  	[tilespmem:s10], [sflag:$0x1] =	stream.indirect.gather [hbm4b:s3+s8], $0x40, s8, s8, $0xb8;
	[tilespmem:$0xAA80] =	vst v63  }
0x14: {  	_ = 	snop  }
0x15: {  	[tilespmem:s12], [sflag:$0x1] =	stream.indirect.gather [hbm4b:s3+s8], $0x40, s11, s8, $0xb8;
	[tilespmem:$0xAA80] =	vst v63  }
0x16: {  	_ = 	snop  }
0x17: {  	[tilespmem:s14], [sflag:$0x1] =	stream.indirect.gather [hbm4b:s3+s8], $0x40, s13, s8, $0xb8;
	[tilespmem:$0xAA80] =	vst v63  }
0x18: {  	_ = 	snop  }
0x19: {  	[tilespmem:s16], [sflag:$0x1] =	stream.indirect.gather [hbm4b:s3+s8], $0x40, s15, s8, $0xb8;
	[tilespmem:$0xAA80] =	vst v63  }
0x1a: {  	_ =	swait.ge [sflag:s17], $0x2000  }
0x1b: {  	[sflag:s17] =	ssyncset.done $0x0  }
0x1c: {  	[sflag:s17] =	ssyncadd.s32 $0xFFFFE000  }
0x1d: {  	_ =	swait.ge [sflag:s17], $0x2000  }
0x1e: {  	[sflag:s17] =	ssyncset.done $0x0  }
0x1f: {  	[sflag:s17] =	ssyncadd.s32 $0xFFFFE000  }
0x20: {  	_ =	swait.ge [sflag:s17], $0x2000  }
0x21: {  	[sflag:s17] =	ssyncset.done $0x0  }
0x22: {  	[sflag:s17] =	ssyncadd.s32 $0xFFFFE000  }
0x23: {  	_ =	swait.ge [sflag:s17], $0x2000  }
0x24: {  	[sflag:s17] =	ssyncset.done $0x0  }
0x25: {  	[sflag:s17] =	ssyncadd.s32 $0xFFFFE000  }
0x26: {  	_ =	swait.ge [sflag:s17], $0x2000  }
0x27: {  	[sflag:s17] =	ssyncset.done $0x0  }
0x28: {  	s20 =	simm.s32 $0x500;
	[sflag:s17] =	ssyncadd.s32 $0xFFFFE000  }
0x29: {  	v0 =	vld [tilespmem:s20+$0xFFFFFDC0]  }
0x2a: {  	v1 =	vld [tilespmem:s20+$0xFFFFFD80];
	_ =	sdelay $0x1  }
0x2b: {  	v2 =	vld [tilespmem:s20+$0xFFFFFE00];
	_ =	sdelay $0x1  }
0x2c: {  	v3 =	vld [tilespmem:s20+$0xFFFFFE40]  }
0x2d: {  	v0 =	vadd.f32 v0, v1  }
0x2e: {  	v1 =	vld [tilespmem:s20+$0xFFFFFE80]  }
0x2f: {  	v0 =	vadd.f32 v2, v0  }
0x30: {  	v2 =	vld [tilespmem:s20+$0xFFFFFEC0]  }
0x31: {  	v0 =	vadd.f32 v3, v0  }
0x32: {  	v3 =	vld [tilespmem:s20+$0xFFFFFF00]  }
0x33: {  	v0 =	vadd.f32 v1, v0  }
0x34: {  	v1 =	vld [tilespmem:s20+$0xFFFFFF40]  }
0x35: {  	v0 =	vadd.f32 v2, v0  }
0x36: {  	v2 =	vld [tilespmem:s20+$0xFFFFFF80]  }
0x37: {  	v0 =	vadd.f32 v3, v0  }
0x38: {  	v3 =	vld [tilespmem:s20+$0xFFFFFFC0]  }
0x39: {  	v0 =	vadd.f32 v1, v0  }
0x3a: {  	v1 =	vld [tilespmem:s20+$0x0]  }
0x3b: {  	v0 =	vadd.f32 v2, v0  }
0x3c: {  	v2 =	vld [tilespmem:s20+$0x40]  }
0x3d: {  	v0 =	vadd.f32 v3, v0  }
0x3e: {  	v3 =	vld [tilespmem:s20+$0x80]  }
0x3f: {  	v0 =	vadd.f32 v1, v0  }
0x40: {  	v1 =	vld [tilespmem:s20+$0xC0]  }
0x41: {  	v0 =	vadd.f32 v2, v0  }
0x42: {  	v2 =	vld [tilespmem:s20+$0x100]  }
0x43: {  	v0 =	vadd.f32 v3, v0  }
0x44: {  	v3 =	vld [tilespmem:s20+$0x140]  }
0x45: {  	v0 =	vadd.f32 v1, v0  }
0x46: {  	v1 =	vld [tilespmem:s20+$0x180]  }
0x47: {  	v0 =	vadd.f32 v2, v0  }
0x48: {  	v2 =	vld [tilespmem:s20+$0x1C0]  }
0x49: {  	v0 =	vadd.f32 v3, v0  }
0x4a: {  	v3 =	vld [tilespmem:s20+$0x200]  }
0x4b: {  	v0 =	vadd.f32 v1, v0  }
0x4c: {  	v1 =	vld [tilespmem:s20+$0x240]  }
0x4d: {  	v0 =	vadd.f32 v2, v0;
	_ =	sdelay $0x1  }
0x4e: {  	v0 =	vadd.f32 v3, v0;
	_ =	sdelay $0x1  }
0x4f: {  	v0 =	vadd.f32 v1, v0;
	_ =	sdelay $0x1  }
0x50: {  	v0 =	vmul.f32 $5.000000070e-02, v0  }
0x51: {  	s21 =	simm.s32 $0x0  }
0x52: {  	[tilespmem:s21+$0xA280] =	vst v0  }
0x53: {  	v0 =	vld [tilespmem:s20+$0xFFFFFD90]  }
0x54: {  	v1 =	vld [tilespmem:s20+$0xFFFFFDD0];
	_ =	sdelay $0x1  }
0x55: {  	v2 =	vld [tilespmem:s20+$0xFFFFFE10];
	_ =	sdelay $0x1  }
0x56: {  	v3 =	vld [tilespmem:s20+$0xFFFFFE50]  }
0x57: {  	v0 =	vadd.f32 v1, v0  }
0x58: {  	v1 =	vld [tilespmem:s20+$0xFFFFFE90]  }
0x59: {  	v0 =	vadd.f32 v2, v0  }
0x5a: {  	v2 =	vld [tilespmem:s20+$0xFFFFFED0]  }
0x5b: {  	v0 =	vadd.f32 v3, v0  }
0x5c: {  	v3 =	vld [tilespmem:s20+$0xFFFFFF10]  }
0x5d: {  	v0 =	vadd.f32 v1, v0  }
0x5e: {  	v1 =	vld [tilespmem:s20+$0xFFFFFF50]  }
0x5f: {  	v0 =	vadd.f32 v2, v0  }
0x60: {  	v2 =	vld [tilespmem:s20+$0xFFFFFF90]  }
0x61: {  	v0 =	vadd.f32 v3, v0  }
0x62: {  	v3 =	vld [tilespmem:s20+$0xFFFFFFD0]  }
0x63: {  	v0 =	vadd.f32 v1, v0  }
0x64: {  	v1 =	vld [tilespmem:s20+$0x10]  }
0x65: {  	v0 =	vadd.f32 v2, v0  }
0x66: {  	v2 =	vld [tilespmem:s20+$0x50]  }
0x67: {  	v0 =	vadd.f32 v3, v0  }
0x68: {  	v3 =	vld [tilespmem:s20+$0x90]  }
0x69: {  	v0 =	vadd.f32 v1, v0  }
0x6a: {  	v1 =	vld [tilespmem:s20+$0xD0]  }
0x6b: {  	v0 =	vadd.f32 v2, v0  }
0x6c: {  	v2 =	vld [tilespmem:s20+$0x110]  }
0x6d: {  	v0 =	vadd.f32 v3, v0  }
0x6e: {  	v3 =	vld [tilespmem:s20+$0x150]  }
0x6f: {  	v0 =	vadd.f32 v1, v0  }
0x70: {  	v1 =	vld [tilespmem:s20+$0x190]  }
0x71: {  	v0 =	vadd.f32 v2, v0  }
0x72: {  	v2 =	vld [tilespmem:s20+$0x1D0]  }
0x73: {  	v0 =	vadd.f32 v3, v0  }
0x74: {  	v3 =	vld [tilespmem:s20+$0x210]  }
0x75: {  	v0 =	vadd.f32 v1, v0  }
0x76: {  	v1 =	vld [tilespmem:s20+$0x250]  }
0x77: {  	v0 =	vadd.f32 v2, v0;
	_ =	sdelay $0x1  }
0x78: {  	v0 =	vadd.f32 v3, v0;
	_ =	sdelay $0x1  }
0x79: {  	v0 =	vadd.f32 v1, v0;
	_ =	sdelay $0x1  }
0x7a: {  	v0 =	vmul.f32 $5.000000070e-02, v0;
	_ =	sdelay $0x1  }
0x7b: {  	[tilespmem:s21+$0xA290] =	vst v0  }
0x7c: {  	v0 =	vld [tilespmem:s20+$0xFFFFFDA0]  }
0x7d: {  	v1 =	vld [tilespmem:s20+$0xFFFFFDE0];
	_ =	sdelay $0x1  }
0x7e: {  	v2 =	vld [tilespmem:s20+$0xFFFFFE20];
	_ =	sdelay $0x1  }
0x7f: {  	v3 =	vld [tilespmem:s20+$0xFFFFFE60]  }
0x80: {  	v0 =	vadd.f32 v1, v0  }
0x81: {  	v1 =	vld [tilespmem:s20+$0xFFFFFEA0]  }
0x82: {  	v0 =	vadd.f32 v2, v0  }
0x83: {  	v2 =	vld [tilespmem:s20+$0xFFFFFEE0]  }
0x84: {  	v0 =	vadd.f32 v3, v0  }
0x85: {  	v3 =	vld [tilespmem:s20+$0xFFFFFF20]  }
0x86: {  	v0 =	vadd.f32 v1, v0  }
0x87: {  	v1 =	vld [tilespmem:s20+$0xFFFFFF60]  }
0x88: {  	v0 =	vadd.f32 v2, v0  }
0x89: {  	v2 =	vld [tilespmem:s20+$0xFFFFFFA0]  }
0x8a: {  	v0 =	vadd.f32 v3, v0  }
0x8b: {  	v3 =	vld [tilespmem:s20+$0xFFFFFFE0]  }
0x8c: {  	v0 =	vadd.f32 v1, v0  }
0x8d: {  	v1 =	vld [tilespmem:s20+$0x20]  }
0x8e: {  	v0 =	vadd.f32 v2, v0  }
0x8f: {  	v2 =	vld [tilespmem:s20+$0x60]  }
0x90: {  	v0 =	vadd.f32 v3, v0  }
0x91: {  	v3 =	vld [tilespmem:s20+$0xA0]  }
0x92: {  	v0 =	vadd.f32 v1, v0  }
0x93: {  	v1 =	vld [tilespmem:s20+$0xE0]  }
0x94: {  	v0 =	vadd.f32 v2, v0  }
0x95: {  	v2 =	vld [tilespmem:s20+$0x120]  }
0x96: {  	v0 =	vadd.f32 v3, v0  }
0x97: {  	v3 =	vld [tilespmem:s20+$0x160]  }
0x98: {  	v0 =	vadd.f32 v1, v0  }
0x99: {  	v1 =	vld [tilespmem:s20+$0x1A0]  }
0x9a: {  	v0 =	vadd.f32 v2, v0  }
0x9b: {  	v2 =	vld [tilespmem:s20+$0x1E0]  }
0x9c: {  	v0 =	vadd.f32 v3, v0  }
0x9d: {  	v3 =	vld [tilespmem:s20+$0x220]  }
0x9e: {  	v0 =	vadd.f32 v1, v0  }
0x9f: {  	v1 =	vld [tilespmem:s20+$0x260]  }
0xa0: {  	v0 =	vadd.f32 v2, v0;
	_ =	sdelay $0x1  }
0xa1: {  	v0 =	vadd.f32 v3, v0;
	_ =	sdelay $0x1  }
0xa2: {  	v0 =	vadd.f32 v1, v0;
	_ =	sdelay $0x1  }
0xa3: {  	v0 =	vmul.f32 $5.000000070e-02, v0;
	_ =	sdelay $0x1  }
0xa4: {  	[tilespmem:s21+$0xA2A0] =	vst v0  }
0xa5: {  	v0 =	vld [tilespmem:s20+$0xFFFFFDB0]  }
0xa6: {  	v1 =	vld [tilespmem:s20+$0xFFFFFDF0];
	_ =	sdelay $0x1  }
0xa7: {  	v2 =	vld [tilespmem:s20+$0xFFFFFE30];
	_ =	sdelay $0x1  }
0xa8: {  	v3 =	vld [tilespmem:s20+$0xFFFFFE70]  }
0xa9: {  	v0 =	vadd.f32 v1, v0  }
0xaa: {  	v1 =	vld [tilespmem:s20+$0xFFFFFEB0]  }
0xab: {  	v0 =	vadd.f32 v2, v0  }
0xac: {  	v2 =	vld [tilespmem:s20+$0xFFFFFEF0]  }
0xad: {  	v0 =	vadd.f32 v3, v0  }
0xae: {  	v3 =	vld [tilespmem:s20+$0xFFFFFF30]  }
0xaf: {  	v0 =	vadd.f32 v1, v0  }
0xb0: {  	v1 =	vld [tilespmem:s20+$0xFFFFFF70]  }
0xb1: {  	v0 =	vadd.f32 v2, v0  }
0xb2: {  	v2 =	vld [tilespmem:s20+$0xFFFFFFB0]  }
0xb3: {  	v0 =	vadd.f32 v3, v0  }
0xb4: {  	v3 =	vld [tilespmem:s20+$0xFFFFFFF0]  }
0xb5: {  	v0 =	vadd.f32 v1, v0  }
0xb6: {  	v1 =	vld [tilespmem:s20+$0x30]  }
0xb7: {  	v0 =	vadd.f32 v2, v0  }
0xb8: {  	v2 =	vld [tilespmem:s20+$0x70]  }
0xb9: {  	v0 =	vadd.f32 v3, v0  }
0xba: {  	v3 =	vld [tilespmem:s20+$0xB0]  }
0xbb: {  	v0 =	vadd.f32 v1, v0  }
0xbc: {  	v1 =	vld [tilespmem:s20+$0xF0]  }
0xbd: {  	v0 =	vadd.f32 v2, v0  }
0xbe: {  	v2 =	vld [tilespmem:s20+$0x130]  }
0xbf: {  	v0 =	vadd.f32 v3, v0  }
0xc0: {  	v3 =	vld [tilespmem:s20+$0x170]  }
0xc1: {  	v0 =	vadd.f32 v1, v0  }
0xc2: {  	v1 =	vld [tilespmem:s20+$0x1B0]  }
0xc3: {  	v0 =	vadd.f32 v2, v0  }
0xc4: {  	v2 =	vld [tilespmem:s20+$0x1F0]  }
0xc5: {  	v0 =	vadd.f32 v3, v0;
	_ =	sdelay $0x1  }
0xc6: {  	v3 =	vld [tilespmem:s20+$0x230];
	v0 =	vadd.f32 v1, v0;
	_ =	sdelay $0x1  }
0xc7: {  	v1 =	vadd.f32 v2, v0;
	v0 =	vld [tilespmem:s20+$0x270];
	_ =	sdelay $0x2  }
0xc8: {  	s22 =	simm.s32 $0x100;
	v1 =	vadd.f32 v3, v1  }
.LBB2_2:
0xc9: {  	p0 =	sne.s32 s22, $0x1F00  }
0xca: {  	s20 =	sadd.s32 $0x500, s20;
	s23 =	smov.u32 s22;
	s22 =	sadd.s32 $0x100, s22;
	v0 =	vadd.f32 v0, v1  }
0xcb: {  	_ = 	snop  }
0xcc: {  	v0 =	vmul.f32 $5.000000070e-02, v0;
	_ =	sdelay $0x1  }
0xcd: {  	[tilespmem:s21+$0xA2B0] =	vst v0  }
0xce: {  	v0 =	vld [tilespmem:s20+$0xFFFFFDC0]  }
0xcf: {  	v1 =	vld [tilespmem:s20+$0xFFFFFD80];
	_ =	sdelay $0x1  }
0xd0: {  	v2 =	vld [tilespmem:s20+$0xFFFFFE00];
	_ =	sdelay $0x1  }
0xd1: {  	v3 =	vld [tilespmem:s20+$0xFFFFFE40]  }
0xd2: {  	v0 =	vadd.f32 v0, v1  }
0xd3: {  	v1 =	vld [tilespmem:s20+$0xFFFFFE80]  }
0xd4: {  	v0 =	vadd.f32 v2, v0  }
0xd5: {  	v2 =	vld [tilespmem:s20+$0xFFFFFEC0]  }
0xd6: {  	v0 =	vadd.f32 v3, v0  }
0xd7: {  	v3 =	vld [tilespmem:s20+$0xFFFFFF00]  }
0xd8: {  	v0 =	vadd.f32 v1, v0  }
0xd9: {  	v1 =	vld [tilespmem:s20+$0xFFFFFF40]  }
0xda: {  	v0 =	vadd.f32 v2, v0  }
0xdb: {  	v2 =	vld [tilespmem:s20+$0xFFFFFF80]  }
0xdc: {  	v0 =	vadd.f32 v3, v0  }
0xdd: {  	v3 =	vld [tilespmem:s20+$0xFFFFFFC0]  }
0xde: {  	v0 =	vadd.f32 v1, v0  }
0xdf: {  	v1 =	vld [tilespmem:s20+$0x0]  }
0xe0: {  	v0 =	vadd.f32 v2, v0  }
0xe1: {  	v2 =	vld [tilespmem:s20+$0x40]  }
0xe2: {  	v0 =	vadd.f32 v3, v0  }
0xe3: {  	v3 =	vld [tilespmem:s20+$0x80]  }
0xe4: {  	v0 =	vadd.f32 v1, v0  }
0xe5: {  	v1 =	vld [tilespmem:s20+$0xC0]  }
0xe6: {  	v0 =	vadd.f32 v2, v0  }
0xe7: {  	v2 =	vld [tilespmem:s20+$0x100]  }
0xe8: {  	v0 =	vadd.f32 v3, v0  }
0xe9: {  	v3 =	vld [tilespmem:s20+$0x140]  }
0xea: {  	v0 =	vadd.f32 v1, v0  }
0xeb: {  	v1 =	vld [tilespmem:s20+$0x180]  }
0xec: {  	v0 =	vadd.f32 v2, v0  }
0xed: {  	v2 =	vld [tilespmem:s20+$0x1C0]  }
0xee: {  	v0 =	vadd.f32 v3, v0  }
0xef: {  	v3 =	vld [tilespmem:s20+$0x200]  }
0xf0: {  	v0 =	vadd.f32 v1, v0  }
0xf1: {  	v1 =	vld [tilespmem:s20+$0x240]  }
0xf2: {  	v0 =	vadd.f32 v2, v0;
	_ =	sdelay $0x1  }
0xf3: {  	v0 =	vadd.f32 v3, v0;
	_ =	sdelay $0x1  }
0xf4: {  	v0 =	vadd.f32 v1, v0;
	_ =	sdelay $0x1  }
0xf5: {  	v0 =	vmul.f32 $5.000000070e-02, v0  }
0xf6: {  	s21 =	sshra.s32 s23, $0x2  }
0xf7: {  	[tilespmem:s21+$0xA280] =	vst v0  }
0xf8: {  	v0 =	vld [tilespmem:s20+$0xFFFFFD90]  }
0xf9: {  	v1 =	vld [tilespmem:s20+$0xFFFFFDD0];
	_ =	sdelay $0x1  }
0xfa: {  	v2 =	vld [tilespmem:s20+$0xFFFFFE10];
	_ =	sdelay $0x1  }
0xfb: {  	v3 =	vld [tilespmem:s20+$0xFFFFFE50]  }
0xfc: {  	v0 =	vadd.f32 v1, v0  }
0xfd: {  	v1 =	vld [tilespmem:s20+$0xFFFFFE90]  }
0xfe: {  	v0 =	vadd.f32 v2, v0  }
0xff: {  	v2 =	vld [tilespmem:s20+$0xFFFFFED0]  }
0x100: {  	v0 =	vadd.f32 v3, v0  }
0x101: {  	v3 =	vld [tilespmem:s20+$0xFFFFFF10]  }
0x102: {  	v0 =	vadd.f32 v1, v0  }
0x103: {  	v1 =	vld [tilespmem:s20+$0xFFFFFF50]  }
0x104: {  	v0 =	vadd.f32 v2, v0  }
0x105: {  	v2 =	vld [tilespmem:s20+$0xFFFFFF90]  }
0x106: {  	v0 =	vadd.f32 v3, v0  }
0x107: {  	v3 =	vld [tilespmem:s20+$0xFFFFFFD0]  }
0x108: {  	v0 =	vadd.f32 v1, v0  }
0x109: {  	v1 =	vld [tilespmem:s20+$0x10]  }
0x10a: {  	v0 =	vadd.f32 v2, v0  }
0x10b: {  	v2 =	vld [tilespmem:s20+$0x50]  }
0x10c: {  	v0 =	vadd.f32 v3, v0  }
0x10d: {  	v3 =	vld [tilespmem:s20+$0x90]  }
0x10e: {  	v0 =	vadd.f32 v1, v0  }
0x10f: {  	v1 =	vld [tilespmem:s20+$0xD0]  }
0x110: {  	v0 =	vadd.f32 v2, v0  }
0x111: {  	v2 =	vld [tilespmem:s20+$0x110]  }
0x112: {  	v0 =	vadd.f32 v3, v0  }
0x113: {  	v3 =	vld [tilespmem:s20+$0x150]  }
0x114: {  	v0 =	vadd.f32 v1, v0  }
0x115: {  	v1 =	vld [tilespmem:s20+$0x190]  }
0x116: {  	v0 =	vadd.f32 v2, v0  }
0x117: {  	v2 =	vld [tilespmem:s20+$0x1D0]  }
0x118: {  	v0 =	vadd.f32 v3, v0  }
0x119: {  	v3 =	vld [tilespmem:s20+$0x210]  }
0x11a: {  	v0 =	vadd.f32 v1, v0  }
0x11b: {  	v1 =	vld [tilespmem:s20+$0x250]  }
0x11c: {  	v0 =	vadd.f32 v2, v0;
	_ =	sdelay $0x1  }
0x11d: {  	v0 =	vadd.f32 v3, v0;
	_ =	sdelay $0x1  }
0x11e: {  	v0 =	vadd.f32 v1, v0;
	_ =	sdelay $0x1  }
0x11f: {  	v0 =	vmul.f32 $5.000000070e-02, v0;
	_ =	sdelay $0x1  }
0x120: {  	[tilespmem:s21+$0xA290] =	vst v0  }
0x121: {  	v0 =	vld [tilespmem:s20+$0xFFFFFDA0]  }
0x122: {  	v1 =	vld [tilespmem:s20+$0xFFFFFDE0];
	_ =	sdelay $0x1  }
0x123: {  	v2 =	vld [tilespmem:s20+$0xFFFFFE20];
	_ =	sdelay $0x1  }
0x124: {  	v3 =	vld [tilespmem:s20+$0xFFFFFE60]  }
0x125: {  	v0 =	vadd.f32 v1, v0  }
0x126: {  	v1 =	vld [tilespmem:s20+$0xFFFFFEA0]  }
0x127: {  	v0 =	vadd.f32 v2, v0  }
0x128: {  	v2 =	vld [tilespmem:s20+$0xFFFFFEE0]  }
0x129: {  	v0 =	vadd.f32 v3, v0  }
0x12a: {  	v3 =	vld [tilespmem:s20+$0xFFFFFF20]  }
0x12b: {  	v0 =	vadd.f32 v1, v0  }
0x12c: {  	v1 =	vld [tilespmem:s20+$0xFFFFFF60]  }
0x12d: {  	v0 =	vadd.f32 v2, v0  }
0x12e: {  	v2 =	vld [tilespmem:s20+$0xFFFFFFA0]  }
0x12f: {  	v0 =	vadd.f32 v3, v0  }
0x130: {  	v3 =	vld [tilespmem:s20+$0xFFFFFFE0]  }
0x131: {  	v0 =	vadd.f32 v1, v0  }
0x132: {  	v1 =	vld [tilespmem:s20+$0x20]  }
0x133: {  	v0 =	vadd.f32 v2, v0  }
0x134: {  	v2 =	vld [tilespmem:s20+$0x60]  }
0x135: {  	v0 =	vadd.f32 v3, v0  }
0x136: {  	v3 =	vld [tilespmem:s20+$0xA0]  }
0x137: {  	v0 =	vadd.f32 v1, v0  }
0x138: {  	v1 =	vld [tilespmem:s20+$0xE0]  }
0x139: {  	v0 =	vadd.f32 v2, v0  }
0x13a: {  	v2 =	vld [tilespmem:s20+$0x120]  }
0x13b: {  	v0 =	vadd.f32 v3, v0  }
0x13c: {  	v3 =	vld [tilespmem:s20+$0x160]  }
0x13d: {  	v0 =	vadd.f32 v1, v0  }
0x13e: {  	v1 =	vld [tilespmem:s20+$0x1A0]  }
0x13f: {  	v0 =	vadd.f32 v2, v0  }
0x140: {  	v2 =	vld [tilespmem:s20+$0x1E0]  }
0x141: {  	v0 =	vadd.f32 v3, v0  }
0x142: {  	v3 =	vld [tilespmem:s20+$0x220]  }
0x143: {  	v0 =	vadd.f32 v1, v0  }
0x144: {  	v1 =	vld [tilespmem:s20+$0x260]  }
0x145: {  	v0 =	vadd.f32 v2, v0;
	_ =	sdelay $0x1  }
0x146: {  	v0 =	vadd.f32 v3, v0;
	_ =	sdelay $0x1  }
0x147: {  	v0 =	vadd.f32 v1, v0;
	_ =	sdelay $0x1  }
0x148: {  	v0 =	vmul.f32 $5.000000070e-02, v0;
	_ =	sdelay $0x1  }
0x149: {  	[tilespmem:s21+$0xA2A0] =	vst v0  }
0x14a: {  	v0 =	vld [tilespmem:s20+$0xFFFFFDB0]  }
0x14b: {  	v1 =	vld [tilespmem:s20+$0xFFFFFDF0]  }
0x14c: {  	v2 =	vld [tilespmem:s20+$0xFFFFFE30]  }
0x14d: {  	v3 =	vld [tilespmem:s20+$0xFFFFFE70]  }
0x14e: {  	v4 =	vld [tilespmem:s20+$0xFFFFFEB0]  }
0x14f: {  	v5 =	vld [tilespmem:s20+$0xFFFFFEF0]  }
0x150: {  	v0 =	vadd.f32 v1, v0;
	v1 =	vld [tilespmem:s20+$0xFFFFFF30]  }
0x151: {  	v6 =	vld [tilespmem:s20+$0xFFFFFF70]  }
0x152: {  	v0 =	vadd.f32 v2, v0;
	v2 =	vld [tilespmem:s20+$0xFFFFFFB0]  }
0x153: {  	v7 =	vld [tilespmem:s20+$0xFFFFFFF0]  }
0x154: {  	v0 =	vadd.f32 v3, v0;
	v3 =	vld [tilespmem:s20+$0x30]  }
0x155: {  	v8 =	vld [tilespmem:s20+$0x70]  }
0x156: {  	v0 =	vadd.f32 v4, v0;
	v4 =	vld [tilespmem:s20+$0xB0]  }
0x157: {  	v9 =	vld [tilespmem:s20+$0xF0]  }
0x158: {  	v0 =	vadd.f32 v5, v0;
	v5 =	vld [tilespmem:s20+$0x130]  }
0x159: {  	v10 =	vld [tilespmem:s20+$0x170]  }
0x15a: {  	v0 =	vadd.f32 v1, v0;
	v1 =	vld [tilespmem:s20+$0x1B0]  }
0x15b: {  	v11 =	vld [tilespmem:s20+$0x1F0]  }
0x15c: {  	v6 =	vadd.f32 v6, v0;
	v12 =	vld [tilespmem:s20+$0x230]  }
0x15d: {  	v0 =	vld [tilespmem:s20+$0x270]  }
0x15e: {  	v2 =	vadd.f32 v2, v6;
	_ =	sdelay $0x1  }
0x15f: {  	v2 =	vadd.f32 v7, v2;
	_ =	sdelay $0x1  }
0x160: {  	v2 =	vadd.f32 v3, v2;
	_ =	sdelay $0x1  }
0x161: {  	v2 =	vadd.f32 v8, v2;
	_ =	sdelay $0x1  }
0x162: {  	v2 =	vadd.f32 v4, v2;
	_ =	sdelay $0x1  }
0x163: {  	v2 =	vadd.f32 v9, v2;
	_ =	sdelay $0x1  }
0x164: {  	v2 =	vadd.f32 v5, v2;
	_ =	sdelay $0x1  }
0x165: {  	v2 =	vadd.f32 v10, v2;
	_ =	sdelay $0x1  }
.Ltmp0:
0x166: {  	v1 =	vadd.f32 v1, v2;
	(pc) =	sbr.rel @p0 .LBB2_2-.Ltmp0, $3  }
0x167: {  	_ = 	snop  }
0x168: {  	v1 =	vadd.f32 v11, v1;
	_ =	sdelay $0x1  }
0x169: {  	v1 =	vadd.f32 v12, v1  }
0x16a: {  	_ = 	snop  }
0x16b: {  	v0 =	vadd.f32 v0, v1;
	_ =	sdelay $0x1  }
0x16c: {  	s19 =	sadd.s32 $0x1, s19;
	v0 =	vmul.f32 $5.000000070e-02, v0  }
0x16d: {  	p0 =	sne.s32 s19, s6  }
.Ltmp1:
0x16e: {  	[tilespmem:s21+$0xA2B0] =	vst v0;
	(pc) =	sbr.rel @p0 .LBB2_1-.Ltmp1, $4  }
0x16f: {  	[hbm4b:s5+s2] =	stream.linear.scatter [tilespmem:s18], [sflag:$0x2], $0x800, $0x38;
	[tilespmem:$0xAA80] =	vst v63  }
0x170: {  	_ =	swait.ge [sflag:s7], $0x800  }
0x171: {  	[sflag:s7] =	ssyncset.done $0x0  }
0x172: {  	[sflag:s7] =	ssyncadd.s32 $0xFFFFF800  }
0x173: {  	_ =	sfence.sel $0x180000  }
0x174: {  	[bflag:$0x0] =	sbarrier.arrive $0xFFFF  }
0x175: {  	p0 =	sne.s32 s0, $0x0;
	_ =	strace $0x90000047  }
0x176: {  	s0 =	sadd.s32 @!p0 $0x100000, s1;
	[bflag:$0x2] =	sbarrier.arrive $0xFFFF  }
0x177: {  	[sflag:s0] =	ssyncadd.tile.s32 @!p0 $0x1;
	_ =	shalt  }
.Lfunc_end2:
_tile_overlayer_lowered:
.L_overlay_start_2:
0x178: {  	(tag) =	ssettag $0x2  }
0x179: {  	s0 =	rddreg [dreg:$0x0];
	s2 =	stileid.u32  }
0x17a: {  	s1 =	rddreg [dreg:$0x1];
	p0 =	sne.s32 s2, $0x0  }
0x17b: {  	s3 =	rddreg [dreg:$0x2];
	[bflag:$0x3] =	sbarrier.arrive $0xFFFF;
	s2 =	simm.s32 @!p0 $0x1C02  }
0x17c: {  	[timem:s3], [sflag:s2] =	dma.local @!p0 [hbm:s0], s1  }
0x17d: {  	s0 =	simm.s32 @!p0 $0x2  }
0x17e: {  	_ =	swait.ge @!p0 [sflag:s0], s1  }
0x17f: {  	s1 =	ssub.s32 @!p0 $0x0, s1;
	[sflag:s0] =	ssyncset.done @!p0 $0x0  }
0x180: {  	[sflag:s0] =	ssyncadd.s32 @!p0 s1  }
0x181: {  	[bflag:$0x3] =	sbarrier.arrive $0xFFFF  }
0x182: {  	_ =	shalt  }

</sc_bundles>
